<compile_context>
chip_gen: v7x
topology: tpu7x:2x2x1
jax: 0.10.2.dev20260603
libtpu: 0.0.44.dev20260713+nightly
codegen_flags: <defaults>
</compile_context>

<pallas_src>
import functools

import jax
import jax.numpy as jnp
from jax import lax
from jax.experimental import pallas as pl
from jax.experimental.pallas import tpu as pltpu
from jax.experimental.pallas import tpu_sc as plsc

NC = 2
NS = 16
NW = NC * NS

CHUNK = 128
EMBED = 64
LANES = 16

PACK_W = 8192
PACK_NBLK = 62
HALF = PACK_W * (PACK_NBLK - 1)

NBUF = 4
N_S = 50
N_B = 4096


def _pack_body(ta_ref, tb_ref, out_ref):
    out_ref[:, :EMBED] = ta_ref[...].T
    out_ref[:, EMBED:] = tb_ref[...].T


def _pack_table(tt):
    return pl.pallas_call(
        _pack_body,
        grid=(PACK_NBLK,),
        in_specs=[
            pl.BlockSpec((EMBED, PACK_W), lambda j: (0, j)),
            pl.BlockSpec((EMBED, PACK_W), lambda j: (0, j + PACK_NBLK - 1)),
        ],
        out_specs=pl.BlockSpec((PACK_W, 2 * EMBED), lambda j: (j, 0)),
        out_shape=jax.ShapeDtypeStruct((PACK_W * PACK_NBLK, 2 * EMBED),
                                       jnp.float32),
        compiler_params=pltpu.CompilerParams(
            dimension_semantics=("parallel",)),
    )(tt, tt)


def _gather_body(ids_hbm, tab_hbm, out_hbm, idxv, qv, hv,
                 a_bufs, b_bufs, gsems, wsems):
    cid = lax.axis_index("c")
    sid = lax.axis_index("s")
    wid = sid * NC + cid

    iota = lax.iota(jnp.int32, LANES)
    row16 = [g * LANES + iota for g in range(CHUNK // LANES)]

    pltpu.sync_copy(ids_hbm.at[:, pl.ds(wid * CHUNK, CHUNK)], idxv)

    def stage(i, _):
        r16 = jnp.full((LANES,), i // 8, jnp.int32)
        c16 = (i % 8) * LANES + iota
        v = plsc.load_gather(idxv, [r16, c16])
        q = jnp.where(v < HALF, v, v - HALF)
        h = jnp.where(v < HALF, 0, EMBED).astype(jnp.int32)
        qv[pl.ds(i * LANES, LANES)] = q
        hv[pl.ds(i * LANES, LANES)] = h
        return _

    lax.fori_loop(0, (N_S * CHUNK) // LANES, stage, None)

    def gather(j, b):
        return pltpu.make_async_copy(
            tab_hbm.at[qv.at[pl.ds(j * CHUNK, CHUNK)]], a_bufs[b], gsems[b])

    def write(j, p):
        return pltpu.make_async_copy(
            b_bufs[p], out_hbm.at[j, :, pl.ds(wid * CHUNK, CHUNK)], wsems[p])

    def extract(j, a_ref, b_ref):
        h16s = [hv[pl.ds(j * CHUNK + g * LANES, LANES)]
                for g in range(CHUNK // LANES)]

        def col(c, _):
            vals = [plsc.load_gather(a_ref, [row16[g], h16s[g] + c])
                    for g in range(CHUNK // LANES)]
            for g in range(CHUNK // LANES):
                b_ref[c, pl.ds(g * LANES, LANES)] = vals[g]
            return _

        lax.fori_loop(0, EMBED, col, None)

    def step(j, b):
        gather(j, b).wait()

        @pl.when(j >= 2)
        def _():
            write(j - 2, b % 2).wait()

        extract(j, a_bufs[b], b_bufs[b % 2])
        write(j, b % 2).start()

        @pl.when(j + NBUF < N_S)
        def _():
            gather(j + NBUF, b).start()

    for b in range(NBUF):
        gather(b, b).start()

    def outer(o, _):
        for b in range(NBUF):
            step(o * NBUF + b, b)
        return _

    lax.fori_loop(0, N_S // NBUF, outer, None)
    for j in range(N_S - N_S % NBUF, N_S):
        step(j, j % NBUF)

    write(N_S - 2, (N_S - 2) % 2).wait()
    write(N_S - 1, (N_S - 1) % 2).wait()


def _make_gather():
    def body(ids_hbm, tab_hbm, out_hbm, *scratch):
        idxv, qv, hv = scratch[0], scratch[1], scratch[2]
        a_bufs = scratch[3:3 + NBUF]
        b_bufs = scratch[3 + NBUF:5 + NBUF]
        gsems = scratch[5 + NBUF:5 + 2 * NBUF]
        wsems = scratch[5 + 2 * NBUF:]
        _gather_body(ids_hbm, tab_hbm, out_hbm, idxv, qv, hv,
                     a_bufs, b_bufs, gsems, wsems)

    return pl.kernel(
        body,
        out_type=jax.ShapeDtypeStruct((N_S, EMBED, N_B), jnp.float32),
        mesh=plsc.VectorSubcoreMesh(core_axis_name="c", subcore_axis_name="s"),
        scratch_types=[
            pltpu.VMEM((N_S, CHUNK), jnp.int32),
            pltpu.VMEM((N_S * CHUNK,), jnp.int32),
            pltpu.VMEM((N_S * CHUNK,), jnp.int32),
        ]
        + [pltpu.VMEM((CHUNK, 2 * EMBED), jnp.float32)] * NBUF
        + [pltpu.VMEM((EMBED, CHUNK), jnp.float32)] * 2
        + [pltpu.SemaphoreType.DMA] * (NBUF + 2),
        compiler_params=pltpu.CompilerParams(needs_layout_passes=False),
    )


@jax.jit
def kernel(input_ids, table):
    ids_t = input_ids.astype(jnp.int32).T
    packed_tab = _pack_table(table.T)
    out3 = _make_gather()(ids_t, packed_tab)
    return jnp.transpose(out3, (2, 0, 1))

# --- scband reference (transcript-rebuilt; emitter-appended) ---
"""Pipeline reference for scband-id-embedding-43130061586576 (READ-ONLY COPY).

The authoritative reference and input builder live on the scoring server;
editing this copy changes nothing except your own understanding.
"""

import jax, jax.numpy as jnp
import numpy as np

ID_NUM = 1000000
EMBED_DIM = 64
PADDING_IDX = 0

def setup_inputs(seed: int = 0) -> dict:
    key = jax.random.key(seed)
    k_idx, k_tab = jax.random.split(key)
    input_ids = jax.random.randint(k_idx, (4096, 50), 0, ID_NUM, dtype=jnp.int64 if jax.config.jax_enable_x64 else jnp.int32)
    table = jax.random.normal(k_tab, (ID_NUM, EMBED_DIM), dtype=jnp.float32)
    # padding_idx row is initialized to zeros in nn.Embedding
    table = table.at[PADDING_IDX].set(0.0)
    return {"input_ids": input_ids, "table": table}

def reference(input_ids, table):
    # nn.Embedding forward: pure gather along axis 0
    embeddings = jnp.take(table, input_ids, axis=0)
    return embeddings

if __name__ == "__main__":
    import jax
    _d = setup_inputs()
    print(jax.jit(kernel)(*tuple(_d.values())))

</pallas_src>

<mosaic_0001>
#map = affine_map<(d0, d1) -> (0, 0)>
#map1 = affine_map<(d0, d1) -> (0, 0, 0)>
module attributes {stable_mosaic.version = 14 : i64} {
  func.func @body(%arg0: i32, %arg1: i32, %arg2: memref<50x4096xi32, #tpu.memory_space<hbm>>, %arg3: memref<507904x128xf32, #tpu.memory_space<hbm>>, %arg4: memref<50x64x4096xf32, #tpu.memory_space<hbm>>, %arg5: memref<50x128xi32, #tpu.memory_space<vmem>>, %arg6: memref<6400xi32, #tpu.memory_space<vmem>>, %arg7: memref<6400xi32, #tpu.memory_space<vmem>>, %arg8: memref<128x128xf32, #tpu.memory_space<vmem>>, %arg9: memref<128x128xf32, #tpu.memory_space<vmem>>, %arg10: memref<128x128xf32, #tpu.memory_space<vmem>>, %arg11: memref<128x128xf32, #tpu.memory_space<vmem>>, %arg12: memref<64x128xf32, #tpu.memory_space<vmem>>, %arg13: memref<64x128xf32, #tpu.memory_space<vmem>>, %arg14: memref<!tpu.dma_semaphore, #tpu.memory_space<semaphore_mem>>, %arg15: memref<!tpu.dma_semaphore, #tpu.memory_space<semaphore_mem>>, %arg16: memref<!tpu.dma_semaphore, #tpu.memory_space<semaphore_mem>>, %arg17: memref<!tpu.dma_semaphore, #tpu.memory_space<semaphore_mem>>, %arg18: memref<!tpu.dma_semaphore, #tpu.memory_space<semaphore_mem>>, %arg19: memref<!tpu.dma_semaphore, #tpu.memory_space<semaphore_mem>>) attributes {dimension_semantics = [#tpu.dimension_semantics<core_parallel>, #tpu.dimension_semantics<subcore_parallel>], iteration_bounds = array<i64: 2, 16>, scalar_prefetch = 0 : i64, scratch_operands = 15 : i64, tpu.core_type = #tpu.core_type<sc_vector_subcore>, window_params = [{transform_indices = #map}, {transform_indices = #map}, {transform_indices = #map1}]} {
    %mul3A = arith.constant 2 : i32
    %mul3A_0 = arith.muli %arg1, %mul3A : i32
    %add3A = arith.addi %mul3A_0, %arg0 : i32
    %iota3A = tpu.iota {dimensions = array<i32: 0>} : vector<16xi32>
    %add3A_1 = arith.constant 0 : i32
    %add3A_2 = vector.broadcast %add3A_1 : i32 to vector<16xi32>
    %add3A_3 = arith.addi %add3A_2, %iota3A : vector<16xi32>
    %add3A_4 = arith.constant 16 : i32
    %add3A_5 = vector.broadcast %add3A_4 : i32 to vector<16xi32>
    %add3A_6 = arith.addi %add3A_5, %iota3A : vector<16xi32>
    %add3A_7 = arith.constant 32 : i32
    %add3A_8 = vector.broadcast %add3A_7 : i32 to vector<16xi32>
    %add3A_9 = arith.addi %add3A_8, %iota3A : vector<16xi32>
    %add3A_10 = arith.constant 48 : i32
    %add3A_11 = vector.broadcast %add3A_10 : i32 to vector<16xi32>
    %add3A_12 = arith.addi %add3A_11, %iota3A : vector<16xi32>
    %add3A_13 = arith.constant 64 : i32
    %add3A_14 = vector.broadcast %add3A_13 : i32 to vector<16xi32>
    %add3A_15 = arith.addi %add3A_14, %iota3A : vector<16xi32>
    %add3A_16 = arith.constant 80 : i32
    %add3A_17 = vector.broadcast %add3A_16 : i32 to vector<16xi32>
    %add3A_18 = arith.addi %add3A_17, %iota3A : vector<16xi32>
    %add3A_19 = arith.constant 96 : i32
    %add3A_20 = vector.broadcast %add3A_19 : i32 to vector<16xi32>
    %add3A_21 = arith.addi %add3A_20, %iota3A : vector<16xi32>
    %add3A_22 = arith.constant 112 : i32
    %add3A_23 = vector.broadcast %add3A_22 : i32 to vector<16xi32>
    %add3A_24 = arith.addi %add3A_23, %iota3A : vector<16xi32>
    %mul3A_25 = arith.constant 128 : i32
    %mul3A_26 = arith.muli %add3A, %mul3A_25 : i32
    "tpu.region"() ({
      %run_scoped3A = tpu.sem_alloc : memref<!tpu.dma_semaphore, #tpu.memory_space<semaphore_mem>>
      %dma_start3A_159 = arith.constant 0 : i32
      %dma_start3A_160 = tpu.memref_slice %arg2[%dma_start3A_159, %mul3A_26] : memref<50x4096xi32, #tpu.memory_space<hbm>> -> memref<50x128xi32, #tpu.memory_space<hbm>>
      %dma_start3A_161 = arith.constant 0 : i32
      %dma_start3A_162 = tpu.memref_slice %arg2[%dma_start3A_161, %mul3A_26] : memref<50x4096xi32, #tpu.memory_space<hbm>> -> memref<50x128xi32, #tpu.memory_space<hbm>>
      tpu.enqueue_dma source(%dma_start3A_162 : memref<50x128xi32, #tpu.memory_space<hbm>>) target(%arg5 : memref<50x128xi32, #tpu.memory_space<vmem>>) target_semaphore(%run_scoped3A : memref<!tpu.dma_semaphore, #tpu.memory_space<semaphore_mem>>)
      %dma_wait3A_163 = arith.constant 0 : i32
      %dma_wait3A_164 = tpu.memref_slice %arg2[%dma_wait3A_163, %mul3A_26] : memref<50x4096xi32, #tpu.memory_space<hbm>> -> memref<50x128xi32, #tpu.memory_space<hbm>>
      %dma_wait3A_165 = arith.constant 0 : i32
      %dma_wait3A_166 = tpu.memref_slice %arg2[%dma_wait3A_165, %mul3A_26] : memref<50x4096xi32, #tpu.memory_space<hbm>> -> memref<50x128xi32, #tpu.memory_space<hbm>>
      tpu.wait_dma2 semaphore(%run_scoped3A : memref<!tpu.dma_semaphore, #tpu.memory_space<semaphore_mem>>) src(%dma_wait3A_166 : memref<50x128xi32, #tpu.memory_space<hbm>>) dst(%arg5 : memref<50x128xi32, #tpu.memory_space<vmem>>)
      tpu.yield
    }) : () -> ()
    %scan3A = arith.constant 0 : i32
    %scan3A_27 = arith.constant 400 : i32
    %scan3A_28 = arith.addi %scan3A, %scan3A_27 : i32
    %scan3A_29 = arith.constant 1 : i32
    scf.for %scan3A_159 = %scan3A to %scan3A_28 step %scan3A_29  : i32 {
      %jit3A = arith.constant 8 : i32
      %div3A = arith.divsi %scan3A_159, %jit3A : i32
      %sign3A = arith.constant 0 : i32
      %sign3A_160 = arith.cmpi sgt, %scan3A_159, %sign3A : i32
      %sign3A_161 = arith.extui %sign3A_160 : i1 to i32
      %sign3A_162 = arith.constant 0 : i32
      %sign3A_163 = arith.cmpi slt, %scan3A_159, %sign3A_162 : i32
      %sign3A_164 = arith.extui %sign3A_163 : i1 to i32
      %sign3A_165 = arith.subi %sign3A_161, %sign3A_164 : i32
      %sign3A_166 = arith.constant 0 : i32
      %sign3A_167 = arith.cmpi sgt, %jit3A, %sign3A_166 : i32
      %sign3A_168 = arith.extui %sign3A_167 : i1 to i32
      %sign3A_169 = arith.constant 0 : i32
      %sign3A_170 = arith.cmpi slt, %jit3A, %sign3A_169 : i32
      %sign3A_171 = arith.extui %sign3A_170 : i1 to i32
      %sign3A_172 = arith.subi %sign3A_168, %sign3A_171 : i32
      %ne3A = arith.cmpi ne, %sign3A_165, %sign3A_172 : i32
      %rem3A = arith.remsi %scan3A_159, %jit3A : i32
      %ne3A_173 = arith.constant 0 : i32
      %ne3A_174 = arith.cmpi ne, %rem3A, %ne3A_173 : i32
      %and3A = arith.andi %ne3A, %ne3A_174 : i1
      %sub3A = arith.constant 1 : i32
      %sub3A_175 = arith.subi %div3A, %sub3A : i32
      %select_n3A = arith.select %and3A, %sub3A_175, %div3A : i32
      %broadcast_in_dim3A = vector.broadcast %select_n3A : i32 to vector<16xi32>
      %jit3A_176 = arith.constant 8 : i32
      %eq3A = arith.constant 0 : i32
      %eq3A_177 = arith.cmpi eq, %jit3A_176, %eq3A : i32
      %jit3A_178 = arith.constant 1 : i32
      %select_n3A_179 = arith.select %eq3A_177, %jit3A_178, %jit3A_176 : i32
      %rem3A_180 = arith.remsi %scan3A_159, %select_n3A_179 : i32
      %ne3A_181 = arith.constant 0 : i32
      %ne3A_182 = arith.cmpi ne, %rem3A_180, %ne3A_181 : i32
      %lt3A = arith.constant 0 : i32
      %lt3A_183 = arith.cmpi slt, %rem3A_180, %lt3A : i32
      %lt3A_184 = arith.constant 0 : i32
      %lt3A_185 = arith.cmpi slt, %select_n3A_179, %lt3A_184 : i32
      %ne3A_186 = arith.xori %lt3A_183, %lt3A_185 : i1
      %and3A_187 = arith.andi %ne3A_186, %ne3A_182 : i1
      %add3A_188 = arith.addi %rem3A_180, %select_n3A_179 : i32
      %select_n3A_189 = arith.select %and3A_187, %add3A_188, %rem3A_180 : i32
      %mul3A_190 = arith.constant 16 : i32
      %mul3A_191 = arith.muli %select_n3A_189, %mul3A_190 : i32
      %add3A_192 = vector.broadcast %mul3A_191 : i32 to vector<16xi32>
      %add3A_193 = arith.addi %add3A_192, %iota3A : vector<16xi32>
      %gather3A = tpu.vector_load_idx %arg5[%broadcast_in_dim3A, %add3A_193] : memref<50x128xi32, #tpu.memory_space<vmem>>[vector<16xi32>, vector<16xi32>], vector<16xi32>,
      %lt3A_194 = arith.constant 499712 : i32
      %lt3A_195 = vector.broadcast %lt3A_194 : i32 to vector<16xi32>
      %lt3A_196 = arith.cmpi slt, %gather3A, %lt3A_195 : vector<16xi32>
      %sub3A_197 = arith.constant 499712 : i32
      %sub3A_198 = vector.broadcast %sub3A_197 : i32 to vector<16xi32>
      %sub3A_199 = arith.subi %gather3A, %sub3A_198 : vector<16xi32>
      %select_n3A_200 = arith.select %lt3A_196, %gather3A, %sub3A_199 : vector<16xi1>, vector<16xi32>
      %lt3A_201 = arith.constant 499712 : i32
      %lt3A_202 = vector.broadcast %lt3A_201 : i32 to vector<16xi32>
      %lt3A_203 = arith.cmpi slt, %gather3A, %lt3A_202 : vector<16xi32>
      %jit3A_204 = arith.constant 0 : i32
      %jit3A_205 = arith.constant 64 : i32
      %broadcast_in_dim3A_206 = vector.broadcast %jit3A_204 : i32 to vector<16xi32>
      %broadcast_in_dim3A_207 = vector.broadcast %jit3A_205 : i32 to vector<16xi32>
      %select_n3A_208 = arith.select %lt3A_203, %broadcast_in_dim3A_206, %broadcast_in_dim3A_207 : vector<16xi1>, vector<16xi32>
      %mul3A_209 = arith.constant 16 : i32
      %mul3A_210 = arith.muli %scan3A_159, %mul3A_209 : i32
      %swap3A = arith.index_cast %mul3A_210 : i32 to index
      %swap3A_211 = tpu.vector_load %arg6[%swap3A] {strides = array<i32>} : memref<6400xi32, #tpu.memory_space<vmem>>, vector<16xi32>,
      tpu.vector_store %arg6[%swap3A], %select_n3A_200 {strides = array<i32>} : memref<6400xi32, #tpu.memory_space<vmem>>, vector<16xi32>,
      %mul3A_212 = arith.constant 16 : i32
      %mul3A_213 = arith.muli %scan3A_159, %mul3A_212 : i32
      %swap3A_214 = arith.index_cast %mul3A_213 : i32 to index
      %swap3A_215 = tpu.vector_load %arg7[%swap3A_214] {strides = array<i32>} : memref<6400xi32, #tpu.memory_space<vmem>>, vector<16xi32>,
      tpu.vector_store %arg7[%swap3A_214], %select_n3A_208 {strides = array<i32>} : memref<6400xi32, #tpu.memory_space<vmem>>, vector<16xi32>,
    }
    %scan3A_30 = arith.constant 400 : i32
    %dma_start3A = arith.constant 0 : i32
    %dma_start3A_31 = tpu.memref_slice %arg6[%dma_start3A] : memref<6400xi32, #tpu.memory_space<vmem>> -> memref<128xi32, #tpu.memory_space<vmem>>
    %dma_start3A_32 = arith.constant 0 : i32
    %dma_start3A_33 = arith.constant 0 : i32
    %dma_start3A_34 = tpu.memref_slice %arg3[%dma_start3A_32, %dma_start3A_33] : memref<507904x128xf32, #tpu.memory_space<hbm>> -> memref<507904x128xf32, #tpu.memory_space<hbm>>
    tpu.enqueue_indirect_dma source(%dma_start3A_34 : memref<507904x128xf32, #tpu.memory_space<hbm>>) target(%arg8 : memref<128x128xf32, #tpu.memory_space<vmem>>) offsets(%dma_start3A_31 : memref<128xi32, #tpu.memory_space<vmem>>) semaphore(%arg14 : memref<!tpu.dma_semaphore, #tpu.memory_space<semaphore_mem>>)
    %dma_start3A_35 = arith.constant 128 : i32
    %dma_start3A_36 = tpu.memref_slice %arg6[%dma_start3A_35] : memref<6400xi32, #tpu.memory_space<vmem>> -> memref<128xi32, #tpu.memory_space<vmem>>
    %dma_start3A_37 = arith.constant 0 : i32
    %dma_start3A_38 = arith.constant 0 : i32
    %dma_start3A_39 = tpu.memref_slice %arg3[%dma_start3A_37, %dma_start3A_38] : memref<507904x128xf32, #tpu.memory_space<hbm>> -> memref<507904x128xf32, #tpu.memory_space<hbm>>
    tpu.enqueue_indirect_dma source(%dma_start3A_39 : memref<507904x128xf32, #tpu.memory_space<hbm>>) target(%arg9 : memref<128x128xf32, #tpu.memory_space<vmem>>) offsets(%dma_start3A_36 : memref<128xi32, #tpu.memory_space<vmem>>) semaphore(%arg15 : memref<!tpu.dma_semaphore, #tpu.memory_space<semaphore_mem>>)
    %dma_start3A_40 = arith.constant 256 : i32
    %dma_start3A_41 = tpu.memref_slice %arg6[%dma_start3A_40] : memref<6400xi32, #tpu.memory_space<vmem>> -> memref<128xi32, #tpu.memory_space<vmem>>
    %dma_start3A_42 = arith.constant 0 : i32
    %dma_start3A_43 = arith.constant 0 : i32
    %dma_start3A_44 = tpu.memref_slice %arg3[%dma_start3A_42, %dma_start3A_43] : memref<507904x128xf32, #tpu.memory_space<hbm>> -> memref<507904x128xf32, #tpu.memory_space<hbm>>
    tpu.enqueue_indirect_dma source(%dma_start3A_44 : memref<507904x128xf32, #tpu.memory_space<hbm>>) target(%arg10 : memref<128x128xf32, #tpu.memory_space<vmem>>) offsets(%dma_start3A_41 : memref<128xi32, #tpu.memory_space<vmem>>) semaphore(%arg16 : memref<!tpu.dma_semaphore, #tpu.memory_space<semaphore_mem>>)
    %dma_start3A_45 = arith.constant 384 : i32
    %dma_start3A_46 = tpu.memref_slice %arg6[%dma_start3A_45] : memref<6400xi32, #tpu.memory_space<vmem>> -> memref<128xi32, #tpu.memory_space<vmem>>
    %dma_start3A_47 = arith.constant 0 : i32
    %dma_start3A_48 = arith.constant 0 : i32
    %dma_start3A_49 = tpu.memref_slice %arg3[%dma_start3A_47, %dma_start3A_48] : memref<507904x128xf32, #tpu.memory_space<hbm>> -> memref<507904x128xf32, #tpu.memory_space<hbm>>
    tpu.enqueue_indirect_dma source(%dma_start3A_49 : memref<507904x128xf32, #tpu.memory_space<hbm>>) target(%arg11 : memref<128x128xf32, #tpu.memory_space<vmem>>) offsets(%dma_start3A_46 : memref<128xi32, #tpu.memory_space<vmem>>) semaphore(%arg17 : memref<!tpu.dma_semaphore, #tpu.memory_space<semaphore_mem>>)
    %scan3A_50 = arith.constant 0 : i32
    %scan3A_51 = arith.constant 12 : i32
    %scan3A_52 = arith.addi %scan3A_50, %scan3A_51 : i32
    %scan3A_53 = arith.constant 1 : i32
    scf.for %scan3A_159 = %scan3A_50 to %scan3A_52 step %scan3A_53  : i32 {
      %mul3A_160 = arith.constant 4 : i32
      %mul3A_161 = arith.muli %scan3A_159, %mul3A_160 : i32
      %add3A_162 = arith.constant 0 : i32
      %add3A_163 = arith.addi %mul3A_161, %add3A_162 : i32
      %mul3A_164 = arith.constant 128 : i32
      %mul3A_165 = arith.muli %add3A_163, %mul3A_164 : i32
      %dma_wait3A_166 = tpu.memref_slice %arg6[%mul3A_165] : memref<6400xi32, #tpu.memory_space<vmem>> -> memref<128xi32, #tpu.memory_space<vmem>>
      %dma_wait3A_167 = arith.constant 0 : i32
      %dma_wait3A_168 = arith.constant 0 : i32
      %dma_wait3A_169 = tpu.memref_slice %arg3[%dma_wait3A_167, %dma_wait3A_168] : memref<507904x128xf32, #tpu.memory_space<hbm>> -> memref<507904x128xf32, #tpu.memory_space<hbm>>
      tpu.wait_indirect_dma semaphore(%arg14 : memref<!tpu.dma_semaphore, #tpu.memory_space<semaphore_mem>>) src(%dma_wait3A_169 : memref<507904x128xf32, #tpu.memory_space<hbm>>) dst(%arg8 : memref<128x128xf32, #tpu.memory_space<vmem>>)
      %ge3A = arith.constant 2 : i32
      %ge3A_170 = arith.cmpi sge, %add3A_163, %ge3A : i32
      %convert_element_type3A = arith.extui %ge3A_170 : i1 to i32
      %cond3A = arith.constant 0 : i32
      %cond3A_171 = arith.cmpi ne, %convert_element_type3A, %cond3A : i32
      scf.if %cond3A_171 {
        %sub3A = arith.constant 2 : i32
        %sub3A_488 = arith.subi %add3A_163, %sub3A : i32
        %mul3A_489 = arith.constant 128 : i32
        %mul3A_490 = arith.muli %add3A, %mul3A_489 : i32
        %dma_wait3A_491 = arith.constant 0 : i32
        %dma_wait3A_492 = tpu.memref_slice %arg4[%sub3A_488, %dma_wait3A_491, %mul3A_490] : memref<50x64x4096xf32, #tpu.memory_space<hbm>> -> memref<1x64x128xf32, #tpu.memory_space<hbm>>
        %dma_wait3A_493 = tpu.memref_squeeze %dma_wait3A_492 : memref<1x64x128xf32, #tpu.memory_space<hbm>> -> memref<64x128xf32, #tpu.memory_space<hbm>>
        %dma_wait3A_494 = arith.constant 0 : i32
        %dma_wait3A_495 = tpu.memref_slice %arg4[%sub3A_488, %dma_wait3A_494, %mul3A_490] : memref<50x64x4096xf32, #tpu.memory_space<hbm>> -> memref<1x64x128xf32, #tpu.memory_space<hbm>>
        %dma_wait3A_496 = tpu.memref_squeeze %dma_wait3A_495 : memref<1x64x128xf32, #tpu.memory_space<hbm>> -> memref<64x128xf32, #tpu.memory_space<hbm>>
        tpu.wait_dma2 semaphore(%arg18 : memref<!tpu.dma_semaphore, #tpu.memory_space<semaphore_mem>>) src(%arg12 : memref<64x128xf32, #tpu.memory_space<vmem>>) dst(%dma_wait3A_496 : memref<64x128xf32, #tpu.memory_space<hbm>>)
      } else {
      }
      %mul3A_172 = arith.constant 128 : i32
      %mul3A_173 = arith.muli %add3A_163, %mul3A_172 : i32
      %add3A_174 = arith.constant 0 : i32
      %add3A_175 = arith.addi %mul3A_173, %add3A_174 : i32
      %get3A_176 = arith.index_cast %add3A_175 : i32 to index
      %get3A_177 = tpu.vector_load %arg7[%get3A_176] {strides = array<i32>} : memref<6400xi32, #tpu.memory_space<vmem>>, vector<16xi32>,
      %mul3A_178 = arith.constant 128 : i32
      %mul3A_179 = arith.muli %add3A_163, %mul3A_178 : i32
      %add3A_180 = arith.constant 16 : i32
      %add3A_181 = arith.addi %mul3A_179, %add3A_180 : i32
      %get3A_182 = arith.index_cast %add3A_181 : i32 to index
      %get3A_183 = tpu.vector_load %arg7[%get3A_182] {strides = array<i32>} : memref<6400xi32, #tpu.memory_space<vmem>>, vector<16xi32>,
      %mul3A_184 = arith.constant 128 : i32
      %mul3A_185 = arith.muli %add3A_163, %mul3A_184 : i32
      %add3A_186 = arith.constant 32 : i32
      %add3A_187 = arith.addi %mul3A_185, %add3A_186 : i32
      %get3A_188 = arith.index_cast %add3A_187 : i32 to index
      %get3A_189 = tpu.vector_load %arg7[%get3A_188] {strides = array<i32>} : memref<6400xi32, #tpu.memory_space<vmem>>, vector<16xi32>,
      %mul3A_190 = arith.constant 128 : i32
      %mul3A_191 = arith.muli %add3A_163, %mul3A_190 : i32
      %add3A_192 = arith.constant 48 : i32
      %add3A_193 = arith.addi %mul3A_191, %add3A_192 : i32
      %get3A_194 = arith.index_cast %add3A_193 : i32 to index
      %get3A_195 = tpu.vector_load %arg7[%get3A_194] {strides = array<i32>} : memref<6400xi32, #tpu.memory_space<vmem>>, vector<16xi32>,
      %mul3A_196 = arith.constant 128 : i32
      %mul3A_197 = arith.muli %add3A_163, %mul3A_196 : i32
      %add3A_198 = arith.constant 64 : i32
      %add3A_199 = arith.addi %mul3A_197, %add3A_198 : i32
      %get3A_200 = arith.index_cast %add3A_199 : i32 to index
      %get3A_201 = tpu.vector_load %arg7[%get3A_200] {strides = array<i32>} : memref<6400xi32, #tpu.memory_space<vmem>>, vector<16xi32>,
      %mul3A_202 = arith.constant 128 : i32
      %mul3A_203 = arith.muli %add3A_163, %mul3A_202 : i32
      %add3A_204 = arith.constant 80 : i32
      %add3A_205 = arith.addi %mul3A_203, %add3A_204 : i32
      %get3A_206 = arith.index_cast %add3A_205 : i32 to index
      %get3A_207 = tpu.vector_load %arg7[%get3A_206] {strides = array<i32>} : memref<6400xi32, #tpu.memory_space<vmem>>, vector<16xi32>,
      %mul3A_208 = arith.constant 128 : i32
      %mul3A_209 = arith.muli %add3A_163, %mul3A_208 : i32
      %add3A_210 = arith.constant 96 : i32
      %add3A_211 = arith.addi %mul3A_209, %add3A_210 : i32
      %get3A_212 = arith.index_cast %add3A_211 : i32 to index
      %get3A_213 = tpu.vector_load %arg7[%get3A_212] {strides = array<i32>} : memref<6400xi32, #tpu.memory_space<vmem>>, vector<16xi32>,
      %mul3A_214 = arith.constant 128 : i32
      %mul3A_215 = arith.muli %add3A_163, %mul3A_214 : i32
      %add3A_216 = arith.constant 112 : i32
      %add3A_217 = arith.addi %mul3A_215, %add3A_216 : i32
      %get3A_218 = arith.index_cast %add3A_217 : i32 to index
      %get3A_219 = tpu.vector_load %arg7[%get3A_218] {strides = array<i32>} : memref<6400xi32, #tpu.memory_space<vmem>>, vector<16xi32>,
      %scan3A_220 = arith.constant 0 : i32
      %scan3A_221 = arith.constant 64 : i32
      %scan3A_222 = arith.addi %scan3A_220, %scan3A_221 : i32
      %scan3A_223 = arith.constant 1 : i32
      scf.for %scan3A_488 = %scan3A_220 to %scan3A_222 step %scan3A_223  : i32 {
        %add3A_489 = vector.broadcast %scan3A_488 : i32 to vector<16xi32>
        %add3A_490 = arith.addi %get3A_177, %add3A_489 : vector<16xi32>
        %gather3A = tpu.vector_load_idx %arg8[%add3A_3, %add3A_490] : memref<128x128xf32, #tpu.memory_space<vmem>>[vector<16xi32>, vector<16xi32>], vector<16xf32>,
        %add3A_491 = vector.broadcast %scan3A_488 : i32 to vector<16xi32>
        %add3A_492 = arith.addi %get3A_183, %add3A_491 : vector<16xi32>
        %gather3A_493 = tpu.vector_load_idx %arg8[%add3A_6, %add3A_492] : memref<128x128xf32, #tpu.memory_space<vmem>>[vector<16xi32>, vector<16xi32>], vector<16xf32>,
        %add3A_494 = vector.broadcast %scan3A_488 : i32 to vector<16xi32>
        %add3A_495 = arith.addi %get3A_189, %add3A_494 : vector<16xi32>
        %gather3A_496 = tpu.vector_load_idx %arg8[%add3A_9, %add3A_495] : memref<128x128xf32, #tpu.memory_space<vmem>>[vector<16xi32>, vector<16xi32>], vector<16xf32>,
        %add3A_497 = vector.broadcast %scan3A_488 : i32 to vector<16xi32>
        %add3A_498 = arith.addi %get3A_195, %add3A_497 : vector<16xi32>
        %gather3A_499 = tpu.vector_load_idx %arg8[%add3A_12, %add3A_498] : memref<128x128xf32, #tpu.memory_space<vmem>>[vector<16xi32>, vector<16xi32>], vector<16xf32>,
        %add3A_500 = vector.broadcast %scan3A_488 : i32 to vector<16xi32>
        %add3A_501 = arith.addi %get3A_201, %add3A_500 : vector<16xi32>
        %gather3A_502 = tpu.vector_load_idx %arg8[%add3A_15, %add3A_501] : memref<128x128xf32, #tpu.memory_space<vmem>>[vector<16xi32>, vector<16xi32>], vector<16xf32>,
        %add3A_503 = vector.broadcast %scan3A_488 : i32 to vector<16xi32>
        %add3A_504 = arith.addi %get3A_207, %add3A_503 : vector<16xi32>
        %gather3A_505 = tpu.vector_load_idx %arg8[%add3A_18, %add3A_504] : memref<128x128xf32, #tpu.memory_space<vmem>>[vector<16xi32>, vector<16xi32>], vector<16xf32>,
        %add3A_506 = vector.broadcast %scan3A_488 : i32 to vector<16xi32>
        %add3A_507 = arith.addi %get3A_213, %add3A_506 : vector<16xi32>
        %gather3A_508 = tpu.vector_load_idx %arg8[%add3A_21, %add3A_507] : memref<128x128xf32, #tpu.memory_space<vmem>>[vector<16xi32>, vector<16xi32>], vector<16xf32>,
        %add3A_509 = vector.broadcast %scan3A_488 : i32 to vector<16xi32>
        %add3A_510 = arith.addi %get3A_219, %add3A_509 : vector<16xi32>
        %gather3A_511 = tpu.vector_load_idx %arg8[%add3A_24, %add3A_510] : memref<128x128xf32, #tpu.memory_space<vmem>>[vector<16xi32>, vector<16xi32>], vector<16xf32>,
        %swap3A = arith.index_cast %scan3A_488 : i32 to index
        %swap3A_512 = arith.constant 0 : index
        %swap3A_513 = tpu.vector_load %arg12[%swap3A, %swap3A_512] {strides = array<i32>} : memref<64x128xf32, #tpu.memory_space<vmem>>, vector<16xf32>,
        tpu.vector_store %arg12[%swap3A, %swap3A_512], %gather3A {strides = array<i32>} : memref<64x128xf32, #tpu.memory_space<vmem>>, vector<16xf32>,
        %swap3A_514 = arith.index_cast %scan3A_488 : i32 to index
        %swap3A_515 = arith.constant 16 : index
        %swap3A_516 = tpu.vector_load %arg12[%swap3A_514, %swap3A_515] {strides = array<i32>} : memref<64x128xf32, #tpu.memory_space<vmem>>, vector<16xf32>,
        tpu.vector_store %arg12[%swap3A_514, %swap3A_515], %gather3A_493 {strides = array<i32>} : memref<64x128xf32, #tpu.memory_space<vmem>>, vector<16xf32>,
        %swap3A_517 = arith.index_cast %scan3A_488 : i32 to index
        %swap3A_518 = arith.constant 32 : index
        %swap3A_519 = tpu.vector_load %arg12[%swap3A_517, %swap3A_518] {strides = array<i32>} : memref<64x128xf32, #tpu.memory_space<vmem>>, vector<16xf32>,
        tpu.vector_store %arg12[%swap3A_517, %swap3A_518], %gather3A_496 {strides = array<i32>} : memref<64x128xf32, #tpu.memory_space<vmem>>, vector<16xf32>,
        %swap3A_520 = arith.index_cast %scan3A_488 : i32 to index
        %swap3A_521 = arith.constant 48 : index
        %swap3A_522 = tpu.vector_load %arg12[%swap3A_520, %swap3A_521] {strides = array<i32>} : memref<64x128xf32, #tpu.memory_space<vmem>>, vector<16xf32>,
        tpu.vector_store %arg12[%swap3A_520, %swap3A_521], %gather3A_499 {strides = array<i32>} : memref<64x128xf32, #tpu.memory_space<vmem>>, vector<16xf32>,
        %swap3A_523 = arith.index_cast %scan3A_488 : i32 to index
        %swap3A_524 = arith.constant 64 : index
        %swap3A_525 = tpu.vector_load %arg12[%swap3A_523, %swap3A_524] {strides = array<i32>} : memref<64x128xf32, #tpu.memory_space<vmem>>, vector<16xf32>,
        tpu.vector_store %arg12[%swap3A_523, %swap3A_524], %gather3A_502 {strides = array<i32>} : memref<64x128xf32, #tpu.memory_space<vmem>>, vector<16xf32>,
        %swap3A_526 = arith.index_cast %scan3A_488 : i32 to index
        %swap3A_527 = arith.constant 80 : index
        %swap3A_528 = tpu.vector_load %arg12[%swap3A_526, %swap3A_527] {strides = array<i32>} : memref<64x128xf32, #tpu.memory_space<vmem>>, vector<16xf32>,
        tpu.vector_store %arg12[%swap3A_526, %swap3A_527], %gather3A_505 {strides = array<i32>} : memref<64x128xf32, #tpu.memory_space<vmem>>, vector<16xf32>,
        %swap3A_529 = arith.index_cast %scan3A_488 : i32 to index
        %swap3A_530 = arith.constant 96 : index
        %swap3A_531 = tpu.vector_load %arg12[%swap3A_529, %swap3A_530] {strides = array<i32>} : memref<64x128xf32, #tpu.memory_space<vmem>>, vector<16xf32>,
        tpu.vector_store %arg12[%swap3A_529, %swap3A_530], %gather3A_508 {strides = array<i32>} : memref<64x128xf32, #tpu.memory_space<vmem>>, vector<16xf32>,
        %swap3A_532 = arith.index_cast %scan3A_488 : i32 to index
        %swap3A_533 = arith.constant 112 : index
        %swap3A_534 = tpu.vector_load %arg12[%swap3A_532, %swap3A_533] {strides = array<i32>} : memref<64x128xf32, #tpu.memory_space<vmem>>, vector<16xf32>,
        tpu.vector_store %arg12[%swap3A_532, %swap3A_533], %gather3A_511 {strides = array<i32>} : memref<64x128xf32, #tpu.memory_space<vmem>>, vector<16xf32>,
      }
      %scan3A_224 = arith.constant 64 : i32
      %mul3A_225 = arith.constant 128 : i32
      %mul3A_226 = arith.muli %add3A, %mul3A_225 : i32
      %dma_start3A_227 = arith.constant 0 : i32
      %dma_start3A_228 = tpu.memref_slice %arg4[%add3A_163, %dma_start3A_227, %mul3A_226] : memref<50x64x4096xf32, #tpu.memory_space<hbm>> -> memref<1x64x128xf32, #tpu.memory_space<hbm>>
      %dma_start3A_229 = tpu.memref_squeeze %dma_start3A_228 : memref<1x64x128xf32, #tpu.memory_space<hbm>> -> memref<64x128xf32, #tpu.memory_space<hbm>>
      %dma_start3A_230 = arith.constant 0 : i32
      %dma_start3A_231 = tpu.memref_slice %arg4[%add3A_163, %dma_start3A_230, %mul3A_226] : memref<50x64x4096xf32, #tpu.memory_space<hbm>> -> memref<1x64x128xf32, #tpu.memory_space<hbm>>
      %dma_start3A_232 = tpu.memref_squeeze %dma_start3A_231 : memref<1x64x128xf32, #tpu.memory_space<hbm>> -> memref<64x128xf32, #tpu.memory_space<hbm>>
      tpu.enqueue_dma source(%arg12 : memref<64x128xf32, #tpu.memory_space<vmem>>) target(%dma_start3A_232 : memref<64x128xf32, #tpu.memory_space<hbm>>) target_semaphore(%arg18 : memref<!tpu.dma_semaphore, #tpu.memory_space<semaphore_mem>>)
      %add3A_233 = arith.constant 4 : i32
      %add3A_234 = arith.addi %add3A_163, %add3A_233 : i32
      %lt3A = arith.constant 50 : i32
      %lt3A_235 = arith.cmpi slt, %add3A_234, %lt3A : i32
      %convert_element_type3A_236 = arith.extui %lt3A_235 : i1 to i32
      %cond3A_237 = arith.constant 0 : i32
      %cond3A_238 = arith.cmpi ne, %convert_element_type3A_236, %cond3A_237 : i32
      scf.if %cond3A_238 {
        %add3A_488 = arith.constant 4 : i32
        %add3A_489 = arith.addi %add3A_163, %add3A_488 : i32
        %mul3A_490 = arith.constant 128 : i32
        %mul3A_491 = arith.muli %add3A_489, %mul3A_490 : i32
        %dma_start3A_492 = tpu.memref_slice %arg6[%mul3A_491] : memref<6400xi32, #tpu.memory_space<vmem>> -> memref<128xi32, #tpu.memory_space<vmem>>
        %dma_start3A_493 = arith.constant 0 : i32
        %dma_start3A_494 = arith.constant 0 : i32
        %dma_start3A_495 = tpu.memref_slice %arg3[%dma_start3A_493, %dma_start3A_494] : memref<507904x128xf32, #tpu.memory_space<hbm>> -> memref<507904x128xf32, #tpu.memory_space<hbm>>
        tpu.enqueue_indirect_dma source(%dma_start3A_495 : memref<507904x128xf32, #tpu.memory_space<hbm>>) target(%arg8 : memref<128x128xf32, #tpu.memory_space<vmem>>) offsets(%dma_start3A_492 : memref<128xi32, #tpu.memory_space<vmem>>) semaphore(%arg14 : memref<!tpu.dma_semaphore, #tpu.memory_space<semaphore_mem>>)
      } else {
      }
      %mul3A_239 = arith.constant 4 : i32
      %mul3A_240 = arith.muli %scan3A_159, %mul3A_239 : i32
      %add3A_241 = arith.constant 1 : i32
      %add3A_242 = arith.addi %mul3A_240, %add3A_241 : i32
      %mul3A_243 = arith.constant 128 : i32
      %mul3A_244 = arith.muli %add3A_242, %mul3A_243 : i32
      %dma_wait3A_245 = tpu.memref_slice %arg6[%mul3A_244] : memref<6400xi32, #tpu.memory_space<vmem>> -> memref<128xi32, #tpu.memory_space<vmem>>
      %dma_wait3A_246 = arith.constant 0 : i32
      %dma_wait3A_247 = arith.constant 0 : i32
      %dma_wait3A_248 = tpu.memref_slice %arg3[%dma_wait3A_246, %dma_wait3A_247] : memref<507904x128xf32, #tpu.memory_space<hbm>> -> memref<507904x128xf32, #tpu.memory_space<hbm>>
      tpu.wait_indirect_dma semaphore(%arg15 : memref<!tpu.dma_semaphore, #tpu.memory_space<semaphore_mem>>) src(%dma_wait3A_248 : memref<507904x128xf32, #tpu.memory_space<hbm>>) dst(%arg9 : memref<128x128xf32, #tpu.memory_space<vmem>>)
      %ge3A_249 = arith.constant 2 : i32
      %ge3A_250 = arith.cmpi sge, %add3A_242, %ge3A_249 : i32
      %convert_element_type3A_251 = arith.extui %ge3A_250 : i1 to i32
      %cond3A_252 = arith.constant 0 : i32
      %cond3A_253 = arith.cmpi ne, %convert_element_type3A_251, %cond3A_252 : i32
      scf.if %cond3A_253 {
        %sub3A = arith.constant 2 : i32
        %sub3A_488 = arith.subi %add3A_242, %sub3A : i32
        %mul3A_489 = arith.constant 128 : i32
        %mul3A_490 = arith.muli %add3A, %mul3A_489 : i32
        %dma_wait3A_491 = arith.constant 0 : i32
        %dma_wait3A_492 = tpu.memref_slice %arg4[%sub3A_488, %dma_wait3A_491, %mul3A_490] : memref<50x64x4096xf32, #tpu.memory_space<hbm>> -> memref<1x64x128xf32, #tpu.memory_space<hbm>>
        %dma_wait3A_493 = tpu.memref_squeeze %dma_wait3A_492 : memref<1x64x128xf32, #tpu.memory_space<hbm>> -> memref<64x128xf32, #tpu.memory_space<hbm>>
        %dma_wait3A_494 = arith.constant 0 : i32
        %dma_wait3A_495 = tpu.memref_slice %arg4[%sub3A_488, %dma_wait3A_494, %mul3A_490] : memref<50x64x4096xf32, #tpu.memory_space<hbm>> -> memref<1x64x128xf32, #tpu.memory_space<hbm>>
        %dma_wait3A_496 = tpu.memref_squeeze %dma_wait3A_495 : memref<1x64x128xf32, #tpu.memory_space<hbm>> -> memref<64x128xf32, #tpu.memory_space<hbm>>
        tpu.wait_dma2 semaphore(%arg19 : memref<!tpu.dma_semaphore, #tpu.memory_space<semaphore_mem>>) src(%arg13 : memref<64x128xf32, #tpu.memory_space<vmem>>) dst(%dma_wait3A_496 : memref<64x128xf32, #tpu.memory_space<hbm>>)
      } else {
      }
      %mul3A_254 = arith.constant 128 : i32
      %mul3A_255 = arith.muli %add3A_242, %mul3A_254 : i32
      %add3A_256 = arith.constant 0 : i32
      %add3A_257 = arith.addi %mul3A_255, %add3A_256 : i32
      %get3A_258 = arith.index_cast %add3A_257 : i32 to index
      %get3A_259 = tpu.vector_load %arg7[%get3A_258] {strides = array<i32>} : memref<6400xi32, #tpu.memory_space<vmem>>, vector<16xi32>,
      %mul3A_260 = arith.constant 128 : i32
      %mul3A_261 = arith.muli %add3A_242, %mul3A_260 : i32
      %add3A_262 = arith.constant 16 : i32
      %add3A_263 = arith.addi %mul3A_261, %add3A_262 : i32
      %get3A_264 = arith.index_cast %add3A_263 : i32 to index
      %get3A_265 = tpu.vector_load %arg7[%get3A_264] {strides = array<i32>} : memref<6400xi32, #tpu.memory_space<vmem>>, vector<16xi32>,
      %mul3A_266 = arith.constant 128 : i32
      %mul3A_267 = arith.muli %add3A_242, %mul3A_266 : i32
      %add3A_268 = arith.constant 32 : i32
      %add3A_269 = arith.addi %mul3A_267, %add3A_268 : i32
      %get3A_270 = arith.index_cast %add3A_269 : i32 to index
      %get3A_271 = tpu.vector_load %arg7[%get3A_270] {strides = array<i32>} : memref<6400xi32, #tpu.memory_space<vmem>>, vector<16xi32>,
      %mul3A_272 = arith.constant 128 : i32
      %mul3A_273 = arith.muli %add3A_242, %mul3A_272 : i32
      %add3A_274 = arith.constant 48 : i32
      %add3A_275 = arith.addi %mul3A_273, %add3A_274 : i32
      %get3A_276 = arith.index_cast %add3A_275 : i32 to index
      %get3A_277 = tpu.vector_load %arg7[%get3A_276] {strides = array<i32>} : memref<6400xi32, #tpu.memory_space<vmem>>, vector<16xi32>,
      %mul3A_278 = arith.constant 128 : i32
      %mul3A_279 = arith.muli %add3A_242, %mul3A_278 : i32
      %add3A_280 = arith.constant 64 : i32
      %add3A_281 = arith.addi %mul3A_279, %add3A_280 : i32
      %get3A_282 = arith.index_cast %add3A_281 : i32 to index
      %get3A_283 = tpu.vector_load %arg7[%get3A_282] {strides = array<i32>} : memref<6400xi32, #tpu.memory_space<vmem>>, vector<16xi32>,
      %mul3A_284 = arith.constant 128 : i32
      %mul3A_285 = arith.muli %add3A_242, %mul3A_284 : i32
      %add3A_286 = arith.constant 80 : i32
      %add3A_287 = arith.addi %mul3A_285, %add3A_286 : i32
      %get3A_288 = arith.index_cast %add3A_287 : i32 to index
      %get3A_289 = tpu.vector_load %arg7[%get3A_288] {strides = array<i32>} : memref<6400xi32, #tpu.memory_space<vmem>>, vector<16xi32>,
      %mul3A_290 = arith.constant 128 : i32
      %mul3A_291 = arith.muli %add3A_242, %mul3A_290 : i32
      %add3A_292 = arith.constant 96 : i32
      %add3A_293 = arith.addi %mul3A_291, %add3A_292 : i32
      %get3A_294 = arith.index_cast %add3A_293 : i32 to index
      %get3A_295 = tpu.vector_load %arg7[%get3A_294] {strides = array<i32>} : memref<6400xi32, #tpu.memory_space<vmem>>, vector<16xi32>,
      %mul3A_296 = arith.constant 128 : i32
      %mul3A_297 = arith.muli %add3A_242, %mul3A_296 : i32
      %add3A_298 = arith.constant 112 : i32
      %add3A_299 = arith.addi %mul3A_297, %add3A_298 : i32
      %get3A_300 = arith.index_cast %add3A_299 : i32 to index
      %get3A_301 = tpu.vector_load %arg7[%get3A_300] {strides = array<i32>} : memref<6400xi32, #tpu.memory_space<vmem>>, vector<16xi32>,
      %scan3A_302 = arith.constant 0 : i32
      %scan3A_303 = arith.constant 64 : i32
      %scan3A_304 = arith.addi %scan3A_302, %scan3A_303 : i32
      %scan3A_305 = arith.constant 1 : i32
      scf.for %scan3A_488 = %scan3A_302 to %scan3A_304 step %scan3A_305  : i32 {
        %add3A_489 = vector.broadcast %scan3A_488 : i32 to vector<16xi32>
        %add3A_490 = arith.addi %get3A_259, %add3A_489 : vector<16xi32>
        %gather3A = tpu.vector_load_idx %arg9[%add3A_3, %add3A_490] : memref<128x128xf32, #tpu.memory_space<vmem>>[vector<16xi32>, vector<16xi32>], vector<16xf32>,
        %add3A_491 = vector.broadcast %scan3A_488 : i32 to vector<16xi32>
        %add3A_492 = arith.addi %get3A_265, %add3A_491 : vector<16xi32>
        %gather3A_493 = tpu.vector_load_idx %arg9[%add3A_6, %add3A_492] : memref<128x128xf32, #tpu.memory_space<vmem>>[vector<16xi32>, vector<16xi32>], vector<16xf32>,
        %add3A_494 = vector.broadcast %scan3A_488 : i32 to vector<16xi32>
        %add3A_495 = arith.addi %get3A_271, %add3A_494 : vector<16xi32>
        %gather3A_496 = tpu.vector_load_idx %arg9[%add3A_9, %add3A_495] : memref<128x128xf32, #tpu.memory_space<vmem>>[vector<16xi32>, vector<16xi32>], vector<16xf32>,
        %add3A_497 = vector.broadcast %scan3A_488 : i32 to vector<16xi32>
        %add3A_498 = arith.addi %get3A_277, %add3A_497 : vector<16xi32>
        %gather3A_499 = tpu.vector_load_idx %arg9[%add3A_12, %add3A_498] : memref<128x128xf32, #tpu.memory_space<vmem>>[vector<16xi32>, vector<16xi32>], vector<16xf32>,
        %add3A_500 = vector.broadcast %scan3A_488 : i32 to vector<16xi32>
        %add3A_501 = arith.addi %get3A_283, %add3A_500 : vector<16xi32>
        %gather3A_502 = tpu.vector_load_idx %arg9[%add3A_15, %add3A_501] : memref<128x128xf32, #tpu.memory_space<vmem>>[vector<16xi32>, vector<16xi32>], vector<16xf32>,
        %add3A_503 = vector.broadcast %scan3A_488 : i32 to vector<16xi32>
        %add3A_504 = arith.addi %get3A_289, %add3A_503 : vector<16xi32>
        %gather3A_505 = tpu.vector_load_idx %arg9[%add3A_18, %add3A_504] : memref<128x128xf32, #tpu.memory_space<vmem>>[vector<16xi32>, vector<16xi32>], vector<16xf32>,
        %add3A_506 = vector.broadcast %scan3A_488 : i32 to vector<16xi32>
        %add3A_507 = arith.addi %get3A_295, %add3A_506 : vector<16xi32>
        %gather3A_508 = tpu.vector_load_idx %arg9[%add3A_21, %add3A_507] : memref<128x128xf32, #tpu.memory_space<vmem>>[vector<16xi32>, vector<16xi32>], vector<16xf32>,
        %add3A_509 = vector.broadcast %scan3A_488 : i32 to vector<16xi32>
        %add3A_510 = arith.addi %get3A_301, %add3A_509 : vector<16xi32>
        %gather3A_511 = tpu.vector_load_idx %arg9[%add3A_24, %add3A_510] : memref<128x128xf32, #tpu.memory_space<vmem>>[vector<16xi32>, vector<16xi32>], vector<16xf32>,
        %swap3A = arith.index_cast %scan3A_488 : i32 to index
        %swap3A_512 = arith.constant 0 : index
        %swap3A_513 = tpu.vector_load %arg13[%swap3A, %swap3A_512] {strides = array<i32>} : memref<64x128xf32, #tpu.memory_space<vmem>>, vector<16xf32>,
        tpu.vector_store %arg13[%swap3A, %swap3A_512], %gather3A {strides = array<i32>} : memref<64x128xf32, #tpu.memory_space<vmem>>, vector<16xf32>,
        %swap3A_514 = arith.index_cast %scan3A_488 : i32 to index
        %swap3A_515 = arith.constant 16 : index
        %swap3A_516 = tpu.vector_load %arg13[%swap3A_514, %swap3A_515] {strides = array<i32>} : memref<64x128xf32, #tpu.memory_space<vmem>>, vector<16xf32>,
        tpu.vector_store %arg13[%swap3A_514, %swap3A_515], %gather3A_493 {strides = array<i32>} : memref<64x128xf32, #tpu.memory_space<vmem>>, vector<16xf32>,
        %swap3A_517 = arith.index_cast %scan3A_488 : i32 to index
        %swap3A_518 = arith.constant 32 : index
        %swap3A_519 = tpu.vector_load %arg13[%swap3A_517, %swap3A_518] {strides = array<i32>} : memref<64x128xf32, #tpu.memory_space<vmem>>, vector<16xf32>,
        tpu.vector_store %arg13[%swap3A_517, %swap3A_518], %gather3A_496 {strides = array<i32>} : memref<64x128xf32, #tpu.memory_space<vmem>>, vector<16xf32>,
        %swap3A_520 = arith.index_cast %scan3A_488 : i32 to index
        %swap3A_521 = arith.constant 48 : index
        %swap3A_522 = tpu.vector_load %arg13[%swap3A_520, %swap3A_521] {strides = array<i32>} : memref<64x128xf32, #tpu.memory_space<vmem>>, vector<16xf32>,
        tpu.vector_store %arg13[%swap3A_520, %swap3A_521], %gather3A_499 {strides = array<i32>} : memref<64x128xf32, #tpu.memory_space<vmem>>, vector<16xf32>,
        %swap3A_523 = arith.index_cast %scan3A_488 : i32 to index
        %swap3A_524 = arith.constant 64 : index
        %swap3A_525 = tpu.vector_load %arg13[%swap3A_523, %swap3A_524] {strides = array<i32>} : memref<64x128xf32, #tpu.memory_space<vmem>>, vector<16xf32>,
        tpu.vector_store %arg13[%swap3A_523, %swap3A_524], %gather3A_502 {strides = array<i32>} : memref<64x128xf32, #tpu.memory_space<vmem>>, vector<16xf32>,
        %swap3A_526 = arith.index_cast %scan3A_488 : i32 to index
        %swap3A_527 = arith.constant 80 : index
        %swap3A_528 = tpu.vector_load %arg13[%swap3A_526, %swap3A_527] {strides = array<i32>} : memref<64x128xf32, #tpu.memory_space<vmem>>, vector<16xf32>,
        tpu.vector_store %arg13[%swap3A_526, %swap3A_527], %gather3A_505 {strides = array<i32>} : memref<64x128xf32, #tpu.memory_space<vmem>>, vector<16xf32>,
        %swap3A_529 = arith.index_cast %scan3A_488 : i32 to index
        %swap3A_530 = arith.constant 96 : index
        %swap3A_531 = tpu.vector_load %arg13[%swap3A_529, %swap3A_530] {strides = array<i32>} : memref<64x128xf32, #tpu.memory_space<vmem>>, vector<16xf32>,
        tpu.vector_store %arg13[%swap3A_529, %swap3A_530], %gather3A_508 {strides = array<i32>} : memref<64x128xf32, #tpu.memory_space<vmem>>, vector<16xf32>,
        %swap3A_532 = arith.index_cast %scan3A_488 : i32 to index
        %swap3A_533 = arith.constant 112 : index
        %swap3A_534 = tpu.vector_load %arg13[%swap3A_532, %swap3A_533] {strides = array<i32>} : memref<64x128xf32, #tpu.memory_space<vmem>>, vector<16xf32>,
        tpu.vector_store %arg13[%swap3A_532, %swap3A_533], %gather3A_511 {strides = array<i32>} : memref<64x128xf32, #tpu.memory_space<vmem>>, vector<16xf32>,
      }
      %scan3A_306 = arith.constant 64 : i32
      %mul3A_307 = arith.constant 128 : i32
      %mul3A_308 = arith.muli %add3A, %mul3A_307 : i32
      %dma_start3A_309 = arith.constant 0 : i32
      %dma_start3A_310 = tpu.memref_slice %arg4[%add3A_242, %dma_start3A_309, %mul3A_308] : memref<50x64x4096xf32, #tpu.memory_space<hbm>> -> memref<1x64x128xf32, #tpu.memory_space<hbm>>
      %dma_start3A_311 = tpu.memref_squeeze %dma_start3A_310 : memref<1x64x128xf32, #tpu.memory_space<hbm>> -> memref<64x128xf32, #tpu.memory_space<hbm>>
      %dma_start3A_312 = arith.constant 0 : i32
      %dma_start3A_313 = tpu.memref_slice %arg4[%add3A_242, %dma_start3A_312, %mul3A_308] : memref<50x64x4096xf32, #tpu.memory_space<hbm>> -> memref<1x64x128xf32, #tpu.memory_space<hbm>>
      %dma_start3A_314 = tpu.memref_squeeze %dma_start3A_313 : memref<1x64x128xf32, #tpu.memory_space<hbm>> -> memref<64x128xf32, #tpu.memory_space<hbm>>
      tpu.enqueue_dma source(%arg13 : memref<64x128xf32, #tpu.memory_space<vmem>>) target(%dma_start3A_314 : memref<64x128xf32, #tpu.memory_space<hbm>>) target_semaphore(%arg19 : memref<!tpu.dma_semaphore, #tpu.memory_space<semaphore_mem>>)
      %add3A_315 = arith.constant 4 : i32
      %add3A_316 = arith.addi %add3A_242, %add3A_315 : i32
      %lt3A_317 = arith.constant 50 : i32
      %lt3A_318 = arith.cmpi slt, %add3A_316, %lt3A_317 : i32
      %convert_element_type3A_319 = arith.extui %lt3A_318 : i1 to i32
      %cond3A_320 = arith.constant 0 : i32
      %cond3A_321 = arith.cmpi ne, %convert_element_type3A_319, %cond3A_320 : i32
      scf.if %cond3A_321 {
        %add3A_488 = arith.constant 4 : i32
        %add3A_489 = arith.addi %add3A_242, %add3A_488 : i32
        %mul3A_490 = arith.constant 128 : i32
        %mul3A_491 = arith.muli %add3A_489, %mul3A_490 : i32
        %dma_start3A_492 = tpu.memref_slice %arg6[%mul3A_491] : memref<6400xi32, #tpu.memory_space<vmem>> -> memref<128xi32, #tpu.memory_space<vmem>>
        %dma_start3A_493 = arith.constant 0 : i32
        %dma_start3A_494 = arith.constant 0 : i32
        %dma_start3A_495 = tpu.memref_slice %arg3[%dma_start3A_493, %dma_start3A_494] : memref<507904x128xf32, #tpu.memory_space<hbm>> -> memref<507904x128xf32, #tpu.memory_space<hbm>>
        tpu.enqueue_indirect_dma source(%dma_start3A_495 : memref<507904x128xf32, #tpu.memory_space<hbm>>) target(%arg9 : memref<128x128xf32, #tpu.memory_space<vmem>>) offsets(%dma_start3A_492 : memref<128xi32, #tpu.memory_space<vmem>>) semaphore(%arg15 : memref<!tpu.dma_semaphore, #tpu.memory_space<semaphore_mem>>)
      } else {
      }
      %mul3A_322 = arith.constant 4 : i32
      %mul3A_323 = arith.muli %scan3A_159, %mul3A_322 : i32
      %add3A_324 = arith.constant 2 : i32
      %add3A_325 = arith.addi %mul3A_323, %add3A_324 : i32
      %mul3A_326 = arith.constant 128 : i32
      %mul3A_327 = arith.muli %add3A_325, %mul3A_326 : i32
      %dma_wait3A_328 = tpu.memref_slice %arg6[%mul3A_327] : memref<6400xi32, #tpu.memory_space<vmem>> -> memref<128xi32, #tpu.memory_space<vmem>>
      %dma_wait3A_329 = arith.constant 0 : i32
      %dma_wait3A_330 = arith.constant 0 : i32
      %dma_wait3A_331 = tpu.memref_slice %arg3[%dma_wait3A_329, %dma_wait3A_330] : memref<507904x128xf32, #tpu.memory_space<hbm>> -> memref<507904x128xf32, #tpu.memory_space<hbm>>
      tpu.wait_indirect_dma semaphore(%arg16 : memref<!tpu.dma_semaphore, #tpu.memory_space<semaphore_mem>>) src(%dma_wait3A_331 : memref<507904x128xf32, #tpu.memory_space<hbm>>) dst(%arg10 : memref<128x128xf32, #tpu.memory_space<vmem>>)
      %ge3A_332 = arith.constant 2 : i32
      %ge3A_333 = arith.cmpi sge, %add3A_325, %ge3A_332 : i32
      %convert_element_type3A_334 = arith.extui %ge3A_333 : i1 to i32
      %cond3A_335 = arith.constant 0 : i32
      %cond3A_336 = arith.cmpi ne, %convert_element_type3A_334, %cond3A_335 : i32
      scf.if %cond3A_336 {
        %sub3A = arith.constant 2 : i32
        %sub3A_488 = arith.subi %add3A_325, %sub3A : i32
        %mul3A_489 = arith.constant 128 : i32
        %mul3A_490 = arith.muli %add3A, %mul3A_489 : i32
        %dma_wait3A_491 = arith.constant 0 : i32
        %dma_wait3A_492 = tpu.memref_slice %arg4[%sub3A_488, %dma_wait3A_491, %mul3A_490] : memref<50x64x4096xf32, #tpu.memory_space<hbm>> -> memref<1x64x128xf32, #tpu.memory_space<hbm>>
        %dma_wait3A_493 = tpu.memref_squeeze %dma_wait3A_492 : memref<1x64x128xf32, #tpu.memory_space<hbm>> -> memref<64x128xf32, #tpu.memory_space<hbm>>
        %dma_wait3A_494 = arith.constant 0 : i32
        %dma_wait3A_495 = tpu.memref_slice %arg4[%sub3A_488, %dma_wait3A_494, %mul3A_490] : memref<50x64x4096xf32, #tpu.memory_space<hbm>> -> memref<1x64x128xf32, #tpu.memory_space<hbm>>
        %dma_wait3A_496 = tpu.memref_squeeze %dma_wait3A_495 : memref<1x64x128xf32, #tpu.memory_space<hbm>> -> memref<64x128xf32, #tpu.memory_space<hbm>>
        tpu.wait_dma2 semaphore(%arg18 : memref<!tpu.dma_semaphore, #tpu.memory_space<semaphore_mem>>) src(%arg12 : memref<64x128xf32, #tpu.memory_space<vmem>>) dst(%dma_wait3A_496 : memref<64x128xf32, #tpu.memory_space<hbm>>)
      } else {
      }
      %mul3A_337 = arith.constant 128 : i32
      %mul3A_338 = arith.muli %add3A_325, %mul3A_337 : i32
      %add3A_339 = arith.constant 0 : i32
      %add3A_340 = arith.addi %mul3A_338, %add3A_339 : i32
      %get3A_341 = arith.index_cast %add3A_340 : i32 to index
      %get3A_342 = tpu.vector_load %arg7[%get3A_341] {strides = array<i32>} : memref<6400xi32, #tpu.memory_space<vmem>>, vector<16xi32>,
      %mul3A_343 = arith.constant 128 : i32
      %mul3A_344 = arith.muli %add3A_325, %mul3A_343 : i32
      %add3A_345 = arith.constant 16 : i32
      %add3A_346 = arith.addi %mul3A_344, %add3A_345 : i32
      %get3A_347 = arith.index_cast %add3A_346 : i32 to index
      %get3A_348 = tpu.vector_load %arg7[%get3A_347] {strides = array<i32>} : memref<6400xi32, #tpu.memory_space<vmem>>, vector<16xi32>,
      %mul3A_349 = arith.constant 128 : i32
      %mul3A_350 = arith.muli %add3A_325, %mul3A_349 : i32
      %add3A_351 = arith.constant 32 : i32
      %add3A_352 = arith.addi %mul3A_350, %add3A_351 : i32
      %get3A_353 = arith.index_cast %add3A_352 : i32 to index
      %get3A_354 = tpu.vector_load %arg7[%get3A_353] {strides = array<i32>} : memref<6400xi32, #tpu.memory_space<vmem>>, vector<16xi32>,
      %mul3A_355 = arith.constant 128 : i32
      %mul3A_356 = arith.muli %add3A_325, %mul3A_355 : i32
      %add3A_357 = arith.constant 48 : i32
      %add3A_358 = arith.addi %mul3A_356, %add3A_357 : i32
      %get3A_359 = arith.index_cast %add3A_358 : i32 to index
      %get3A_360 = tpu.vector_load %arg7[%get3A_359] {strides = array<i32>} : memref<6400xi32, #tpu.memory_space<vmem>>, vector<16xi32>,
      %mul3A_361 = arith.constant 128 : i32
      %mul3A_362 = arith.muli %add3A_325, %mul3A_361 : i32
      %add3A_363 = arith.constant 64 : i32
      %add3A_364 = arith.addi %mul3A_362, %add3A_363 : i32
      %get3A_365 = arith.index_cast %add3A_364 : i32 to index
      %get3A_366 = tpu.vector_load %arg7[%get3A_365] {strides = array<i32>} : memref<6400xi32, #tpu.memory_space<vmem>>, vector<16xi32>,
      %mul3A_367 = arith.constant 128 : i32
      %mul3A_368 = arith.muli %add3A_325, %mul3A_367 : i32
      %add3A_369 = arith.constant 80 : i32
      %add3A_370 = arith.addi %mul3A_368, %add3A_369 : i32
      %get3A_371 = arith.index_cast %add3A_370 : i32 to index
      %get3A_372 = tpu.vector_load %arg7[%get3A_371] {strides = array<i32>} : memref<6400xi32, #tpu.memory_space<vmem>>, vector<16xi32>,
      %mul3A_373 = arith.constant 128 : i32
      %mul3A_374 = arith.muli %add3A_325, %mul3A_373 : i32
      %add3A_375 = arith.constant 96 : i32
      %add3A_376 = arith.addi %mul3A_374, %add3A_375 : i32
      %get3A_377 = arith.index_cast %add3A_376 : i32 to index
      %get3A_378 = tpu.vector_load %arg7[%get3A_377] {strides = array<i32>} : memref<6400xi32, #tpu.memory_space<vmem>>, vector<16xi32>,
      %mul3A_379 = arith.constant 128 : i32
      %mul3A_380 = arith.muli %add3A_325, %mul3A_379 : i32
      %add3A_381 = arith.constant 112 : i32
      %add3A_382 = arith.addi %mul3A_380, %add3A_381 : i32
      %get3A_383 = arith.index_cast %add3A_382 : i32 to index
      %get3A_384 = tpu.vector_load %arg7[%get3A_383] {strides = array<i32>} : memref<6400xi32, #tpu.memory_space<vmem>>, vector<16xi32>,
      %scan3A_385 = arith.constant 0 : i32
      %scan3A_386 = arith.constant 64 : i32
      %scan3A_387 = arith.addi %scan3A_385, %scan3A_386 : i32
      %scan3A_388 = arith.constant 1 : i32
      scf.for %scan3A_488 = %scan3A_385 to %scan3A_387 step %scan3A_388  : i32 {
        %add3A_489 = vector.broadcast %scan3A_488 : i32 to vector<16xi32>
        %add3A_490 = arith.addi %get3A_342, %add3A_489 : vector<16xi32>
        %gather3A = tpu.vector_load_idx %arg10[%add3A_3, %add3A_490] : memref<128x128xf32, #tpu.memory_space<vmem>>[vector<16xi32>, vector<16xi32>], vector<16xf32>,
        %add3A_491 = vector.broadcast %scan3A_488 : i32 to vector<16xi32>
        %add3A_492 = arith.addi %get3A_348, %add3A_491 : vector<16xi32>
        %gather3A_493 = tpu.vector_load_idx %arg10[%add3A_6, %add3A_492] : memref<128x128xf32, #tpu.memory_space<vmem>>[vector<16xi32>, vector<16xi32>], vector<16xf32>,
        %add3A_494 = vector.broadcast %scan3A_488 : i32 to vector<16xi32>
        %add3A_495 = arith.addi %get3A_354, %add3A_494 : vector<16xi32>
        %gather3A_496 = tpu.vector_load_idx %arg10[%add3A_9, %add3A_495] : memref<128x128xf32, #tpu.memory_space<vmem>>[vector<16xi32>, vector<16xi32>], vector<16xf32>,
        %add3A_497 = vector.broadcast %scan3A_488 : i32 to vector<16xi32>
        %add3A_498 = arith.addi %get3A_360, %add3A_497 : vector<16xi32>
        %gather3A_499 = tpu.vector_load_idx %arg10[%add3A_12, %add3A_498] : memref<128x128xf32, #tpu.memory_space<vmem>>[vector<16xi32>, vector<16xi32>], vector<16xf32>,
        %add3A_500 = vector.broadcast %scan3A_488 : i32 to vector<16xi32>
        %add3A_501 = arith.addi %get3A_366, %add3A_500 : vector<16xi32>
        %gather3A_502 = tpu.vector_load_idx %arg10[%add3A_15, %add3A_501] : memref<128x128xf32, #tpu.memory_space<vmem>>[vector<16xi32>, vector<16xi32>], vector<16xf32>,
        %add3A_503 = vector.broadcast %scan3A_488 : i32 to vector<16xi32>
        %add3A_504 = arith.addi %get3A_372, %add3A_503 : vector<16xi32>
        %gather3A_505 = tpu.vector_load_idx %arg10[%add3A_18, %add3A_504] : memref<128x128xf32, #tpu.memory_space<vmem>>[vector<16xi32>, vector<16xi32>], vector<16xf32>,
        %add3A_506 = vector.broadcast %scan3A_488 : i32 to vector<16xi32>
        %add3A_507 = arith.addi %get3A_378, %add3A_506 : vector<16xi32>
        %gather3A_508 = tpu.vector_load_idx %arg10[%add3A_21, %add3A_507] : memref<128x128xf32, #tpu.memory_space<vmem>>[vector<16xi32>, vector<16xi32>], vector<16xf32>,
        %add3A_509 = vector.broadcast %scan3A_488 : i32 to vector<16xi32>
        %add3A_510 = arith.addi %get3A_384, %add3A_509 : vector<16xi32>
        %gather3A_511 = tpu.vector_load_idx %arg10[%add3A_24, %add3A_510] : memref<128x128xf32, #tpu.memory_space<vmem>>[vector<16xi32>, vector<16xi32>], vector<16xf32>,
        %swap3A = arith.index_cast %scan3A_488 : i32 to index
        %swap3A_512 = arith.constant 0 : index
        %swap3A_513 = tpu.vector_load %arg12[%swap3A, %swap3A_512] {strides = array<i32>} : memref<64x128xf32, #tpu.memory_space<vmem>>, vector<16xf32>,
        tpu.vector_store %arg12[%swap3A, %swap3A_512], %gather3A {strides = array<i32>} : memref<64x128xf32, #tpu.memory_space<vmem>>, vector<16xf32>,
        %swap3A_514 = arith.index_cast %scan3A_488 : i32 to index
        %swap3A_515 = arith.constant 16 : index
        %swap3A_516 = tpu.vector_load %arg12[%swap3A_514, %swap3A_515] {strides = array<i32>} : memref<64x128xf32, #tpu.memory_space<vmem>>, vector<16xf32>,
        tpu.vector_store %arg12[%swap3A_514, %swap3A_515], %gather3A_493 {strides = array<i32>} : memref<64x128xf32, #tpu.memory_space<vmem>>, vector<16xf32>,
        %swap3A_517 = arith.index_cast %scan3A_488 : i32 to index
        %swap3A_518 = arith.constant 32 : index
        %swap3A_519 = tpu.vector_load %arg12[%swap3A_517, %swap3A_518] {strides = array<i32>} : memref<64x128xf32, #tpu.memory_space<vmem>>, vector<16xf32>,
        tpu.vector_store %arg12[%swap3A_517, %swap3A_518], %gather3A_496 {strides = array<i32>} : memref<64x128xf32, #tpu.memory_space<vmem>>, vector<16xf32>,
        %swap3A_520 = arith.index_cast %scan3A_488 : i32 to index
        %swap3A_521 = arith.constant 48 : index
        %swap3A_522 = tpu.vector_load %arg12[%swap3A_520, %swap3A_521] {strides = array<i32>} : memref<64x128xf32, #tpu.memory_space<vmem>>, vector<16xf32>,
        tpu.vector_store %arg12[%swap3A_520, %swap3A_521], %gather3A_499 {strides = array<i32>} : memref<64x128xf32, #tpu.memory_space<vmem>>, vector<16xf32>,
        %swap3A_523 = arith.index_cast %scan3A_488 : i32 to index
        %swap3A_524 = arith.constant 64 : index
        %swap3A_525 = tpu.vector_load %arg12[%swap3A_523, %swap3A_524] {strides = array<i32>} : memref<64x128xf32, #tpu.memory_space<vmem>>, vector<16xf32>,
        tpu.vector_store %arg12[%swap3A_523, %swap3A_524], %gather3A_502 {strides = array<i32>} : memref<64x128xf32, #tpu.memory_space<vmem>>, vector<16xf32>,
        %swap3A_526 = arith.index_cast %scan3A_488 : i32 to index
        %swap3A_527 = arith.constant 80 : index
        %swap3A_528 = tpu.vector_load %arg12[%swap3A_526, %swap3A_527] {strides = array<i32>} : memref<64x128xf32, #tpu.memory_space<vmem>>, vector<16xf32>,
        tpu.vector_store %arg12[%swap3A_526, %swap3A_527], %gather3A_505 {strides = array<i32>} : memref<64x128xf32, #tpu.memory_space<vmem>>, vector<16xf32>,
        %swap3A_529 = arith.index_cast %scan3A_488 : i32 to index
        %swap3A_530 = arith.constant 96 : index
        %swap3A_531 = tpu.vector_load %arg12[%swap3A_529, %swap3A_530] {strides = array<i32>} : memref<64x128xf32, #tpu.memory_space<vmem>>, vector<16xf32>,
        tpu.vector_store %arg12[%swap3A_529, %swap3A_530], %gather3A_508 {strides = array<i32>} : memref<64x128xf32, #tpu.memory_space<vmem>>, vector<16xf32>,
        %swap3A_532 = arith.index_cast %scan3A_488 : i32 to index
        %swap3A_533 = arith.constant 112 : index
        %swap3A_534 = tpu.vector_load %arg12[%swap3A_532, %swap3A_533] {strides = array<i32>} : memref<64x128xf32, #tpu.memory_space<vmem>>, vector<16xf32>,
        tpu.vector_store %arg12[%swap3A_532, %swap3A_533], %gather3A_511 {strides = array<i32>} : memref<64x128xf32, #tpu.memory_space<vmem>>, vector<16xf32>,
      }
      %scan3A_389 = arith.constant 64 : i32
      %mul3A_390 = arith.constant 128 : i32
      %mul3A_391 = arith.muli %add3A, %mul3A_390 : i32
      %dma_start3A_392 = arith.constant 0 : i32
      %dma_start3A_393 = tpu.memref_slice %arg4[%add3A_325, %dma_start3A_392, %mul3A_391] : memref<50x64x4096xf32, #tpu.memory_space<hbm>> -> memref<1x64x128xf32, #tpu.memory_space<hbm>>
      %dma_start3A_394 = tpu.memref_squeeze %dma_start3A_393 : memref<1x64x128xf32, #tpu.memory_space<hbm>> -> memref<64x128xf32, #tpu.memory_space<hbm>>
      %dma_start3A_395 = arith.constant 0 : i32
      %dma_start3A_396 = tpu.memref_slice %arg4[%add3A_325, %dma_start3A_395, %mul3A_391] : memref<50x64x4096xf32, #tpu.memory_space<hbm>> -> memref<1x64x128xf32, #tpu.memory_space<hbm>>
      %dma_start3A_397 = tpu.memref_squeeze %dma_start3A_396 : memref<1x64x128xf32, #tpu.memory_space<hbm>> -> memref<64x128xf32, #tpu.memory_space<hbm>>
      tpu.enqueue_dma source(%arg12 : memref<64x128xf32, #tpu.memory_space<vmem>>) target(%dma_start3A_397 : memref<64x128xf32, #tpu.memory_space<hbm>>) target_semaphore(%arg18 : memref<!tpu.dma_semaphore, #tpu.memory_space<semaphore_mem>>)
      %add3A_398 = arith.constant 4 : i32
      %add3A_399 = arith.addi %add3A_325, %add3A_398 : i32
      %lt3A_400 = arith.constant 50 : i32
      %lt3A_401 = arith.cmpi slt, %add3A_399, %lt3A_400 : i32
      %convert_element_type3A_402 = arith.extui %lt3A_401 : i1 to i32
      %cond3A_403 = arith.constant 0 : i32
      %cond3A_404 = arith.cmpi ne, %convert_element_type3A_402, %cond3A_403 : i32
      scf.if %cond3A_404 {
        %add3A_488 = arith.constant 4 : i32
        %add3A_489 = arith.addi %add3A_325, %add3A_488 : i32
        %mul3A_490 = arith.constant 128 : i32
        %mul3A_491 = arith.muli %add3A_489, %mul3A_490 : i32
        %dma_start3A_492 = tpu.memref_slice %arg6[%mul3A_491] : memref<6400xi32, #tpu.memory_space<vmem>> -> memref<128xi32, #tpu.memory_space<vmem>>
        %dma_start3A_493 = arith.constant 0 : i32
        %dma_start3A_494 = arith.constant 0 : i32
        %dma_start3A_495 = tpu.memref_slice %arg3[%dma_start3A_493, %dma_start3A_494] : memref<507904x128xf32, #tpu.memory_space<hbm>> -> memref<507904x128xf32, #tpu.memory_space<hbm>>
        tpu.enqueue_indirect_dma source(%dma_start3A_495 : memref<507904x128xf32, #tpu.memory_space<hbm>>) target(%arg10 : memref<128x128xf32, #tpu.memory_space<vmem>>) offsets(%dma_start3A_492 : memref<128xi32, #tpu.memory_space<vmem>>) semaphore(%arg16 : memref<!tpu.dma_semaphore, #tpu.memory_space<semaphore_mem>>)
      } else {
      }
      %mul3A_405 = arith.constant 4 : i32
      %mul3A_406 = arith.muli %scan3A_159, %mul3A_405 : i32
      %add3A_407 = arith.constant 3 : i32
      %add3A_408 = arith.addi %mul3A_406, %add3A_407 : i32
      %mul3A_409 = arith.constant 128 : i32
      %mul3A_410 = arith.muli %add3A_408, %mul3A_409 : i32
      %dma_wait3A_411 = tpu.memref_slice %arg6[%mul3A_410] : memref<6400xi32, #tpu.memory_space<vmem>> -> memref<128xi32, #tpu.memory_space<vmem>>
      %dma_wait3A_412 = arith.constant 0 : i32
      %dma_wait3A_413 = arith.constant 0 : i32
      %dma_wait3A_414 = tpu.memref_slice %arg3[%dma_wait3A_412, %dma_wait3A_413] : memref<507904x128xf32, #tpu.memory_space<hbm>> -> memref<507904x128xf32, #tpu.memory_space<hbm>>
      tpu.wait_indirect_dma semaphore(%arg17 : memref<!tpu.dma_semaphore, #tpu.memory_space<semaphore_mem>>) src(%dma_wait3A_414 : memref<507904x128xf32, #tpu.memory_space<hbm>>) dst(%arg11 : memref<128x128xf32, #tpu.memory_space<vmem>>)
      %ge3A_415 = arith.constant 2 : i32
      %ge3A_416 = arith.cmpi sge, %add3A_408, %ge3A_415 : i32
      %convert_element_type3A_417 = arith.extui %ge3A_416 : i1 to i32
      %cond3A_418 = arith.constant 0 : i32
      %cond3A_419 = arith.cmpi ne, %convert_element_type3A_417, %cond3A_418 : i32
      scf.if %cond3A_419 {
        %sub3A = arith.constant 2 : i32
        %sub3A_488 = arith.subi %add3A_408, %sub3A : i32
        %mul3A_489 = arith.constant 128 : i32
        %mul3A_490 = arith.muli %add3A, %mul3A_489 : i32
        %dma_wait3A_491 = arith.constant 0 : i32
        %dma_wait3A_492 = tpu.memref_slice %arg4[%sub3A_488, %dma_wait3A_491, %mul3A_490] : memref<50x64x4096xf32, #tpu.memory_space<hbm>> -> memref<1x64x128xf32, #tpu.memory_space<hbm>>
        %dma_wait3A_493 = tpu.memref_squeeze %dma_wait3A_492 : memref<1x64x128xf32, #tpu.memory_space<hbm>> -> memref<64x128xf32, #tpu.memory_space<hbm>>
        %dma_wait3A_494 = arith.constant 0 : i32
        %dma_wait3A_495 = tpu.memref_slice %arg4[%sub3A_488, %dma_wait3A_494, %mul3A_490] : memref<50x64x4096xf32, #tpu.memory_space<hbm>> -> memref<1x64x128xf32, #tpu.memory_space<hbm>>
        %dma_wait3A_496 = tpu.memref_squeeze %dma_wait3A_495 : memref<1x64x128xf32, #tpu.memory_space<hbm>> -> memref<64x128xf32, #tpu.memory_space<hbm>>
        tpu.wait_dma2 semaphore(%arg19 : memref<!tpu.dma_semaphore, #tpu.memory_space<semaphore_mem>>) src(%arg13 : memref<64x128xf32, #tpu.memory_space<vmem>>) dst(%dma_wait3A_496 : memref<64x128xf32, #tpu.memory_space<hbm>>)
      } else {
      }
      %mul3A_420 = arith.constant 128 : i32
      %mul3A_421 = arith.muli %add3A_408, %mul3A_420 : i32
      %add3A_422 = arith.constant 0 : i32
      %add3A_423 = arith.addi %mul3A_421, %add3A_422 : i32
      %get3A_424 = arith.index_cast %add3A_423 : i32 to index
      %get3A_425 = tpu.vector_load %arg7[%get3A_424] {strides = array<i32>} : memref<6400xi32, #tpu.memory_space<vmem>>, vector<16xi32>,
      %mul3A_426 = arith.constant 128 : i32
      %mul3A_427 = arith.muli %add3A_408, %mul3A_426 : i32
      %add3A_428 = arith.constant 16 : i32
      %add3A_429 = arith.addi %mul3A_427, %add3A_428 : i32
      %get3A_430 = arith.index_cast %add3A_429 : i32 to index
      %get3A_431 = tpu.vector_load %arg7[%get3A_430] {strides = array<i32>} : memref<6400xi32, #tpu.memory_space<vmem>>, vector<16xi32>,
      %mul3A_432 = arith.constant 128 : i32
      %mul3A_433 = arith.muli %add3A_408, %mul3A_432 : i32
      %add3A_434 = arith.constant 32 : i32
      %add3A_435 = arith.addi %mul3A_433, %add3A_434 : i32
      %get3A_436 = arith.index_cast %add3A_435 : i32 to index
      %get3A_437 = tpu.vector_load %arg7[%get3A_436] {strides = array<i32>} : memref<6400xi32, #tpu.memory_space<vmem>>, vector<16xi32>,
      %mul3A_438 = arith.constant 128 : i32
      %mul3A_439 = arith.muli %add3A_408, %mul3A_438 : i32
      %add3A_440 = arith.constant 48 : i32
      %add3A_441 = arith.addi %mul3A_439, %add3A_440 : i32
      %get3A_442 = arith.index_cast %add3A_441 : i32 to index
      %get3A_443 = tpu.vector_load %arg7[%get3A_442] {strides = array<i32>} : memref<6400xi32, #tpu.memory_space<vmem>>, vector<16xi32>,
      %mul3A_444 = arith.constant 128 : i32
      %mul3A_445 = arith.muli %add3A_408, %mul3A_444 : i32
      %add3A_446 = arith.constant 64 : i32
      %add3A_447 = arith.addi %mul3A_445, %add3A_446 : i32
      %get3A_448 = arith.index_cast %add3A_447 : i32 to index
      %get3A_449 = tpu.vector_load %arg7[%get3A_448] {strides = array<i32>} : memref<6400xi32, #tpu.memory_space<vmem>>, vector<16xi32>,
      %mul3A_450 = arith.constant 128 : i32
      %mul3A_451 = arith.muli %add3A_408, %mul3A_450 : i32
      %add3A_452 = arith.constant 80 : i32
      %add3A_453 = arith.addi %mul3A_451, %add3A_452 : i32
      %get3A_454 = arith.index_cast %add3A_453 : i32 to index
      %get3A_455 = tpu.vector_load %arg7[%get3A_454] {strides = array<i32>} : memref<6400xi32, #tpu.memory_space<vmem>>, vector<16xi32>,
      %mul3A_456 = arith.constant 128 : i32
      %mul3A_457 = arith.muli %add3A_408, %mul3A_456 : i32
      %add3A_458 = arith.constant 96 : i32
      %add3A_459 = arith.addi %mul3A_457, %add3A_458 : i32
      %get3A_460 = arith.index_cast %add3A_459 : i32 to index
      %get3A_461 = tpu.vector_load %arg7[%get3A_460] {strides = array<i32>} : memref<6400xi32, #tpu.memory_space<vmem>>, vector<16xi32>,
      %mul3A_462 = arith.constant 128 : i32
      %mul3A_463 = arith.muli %add3A_408, %mul3A_462 : i32
      %add3A_464 = arith.constant 112 : i32
      %add3A_465 = arith.addi %mul3A_463, %add3A_464 : i32
      %get3A_466 = arith.index_cast %add3A_465 : i32 to index
      %get3A_467 = tpu.vector_load %arg7[%get3A_466] {strides = array<i32>} : memref<6400xi32, #tpu.memory_space<vmem>>, vector<16xi32>,
      %scan3A_468 = arith.constant 0 : i32
      %scan3A_469 = arith.constant 64 : i32
      %scan3A_470 = arith.addi %scan3A_468, %scan3A_469 : i32
      %scan3A_471 = arith.constant 1 : i32
      scf.for %scan3A_488 = %scan3A_468 to %scan3A_470 step %scan3A_471  : i32 {
        %add3A_489 = vector.broadcast %scan3A_488 : i32 to vector<16xi32>
        %add3A_490 = arith.addi %get3A_425, %add3A_489 : vector<16xi32>
        %gather3A = tpu.vector_load_idx %arg11[%add3A_3, %add3A_490] : memref<128x128xf32, #tpu.memory_space<vmem>>[vector<16xi32>, vector<16xi32>], vector<16xf32>,
        %add3A_491 = vector.broadcast %scan3A_488 : i32 to vector<16xi32>
        %add3A_492 = arith.addi %get3A_431, %add3A_491 : vector<16xi32>
        %gather3A_493 = tpu.vector_load_idx %arg11[%add3A_6, %add3A_492] : memref<128x128xf32, #tpu.memory_space<vmem>>[vector<16xi32>, vector<16xi32>], vector<16xf32>,
        %add3A_494 = vector.broadcast %scan3A_488 : i32 to vector<16xi32>
        %add3A_495 = arith.addi %get3A_437, %add3A_494 : vector<16xi32>
        %gather3A_496 = tpu.vector_load_idx %arg11[%add3A_9, %add3A_495] : memref<128x128xf32, #tpu.memory_space<vmem>>[vector<16xi32>, vector<16xi32>], vector<16xf32>,
        %add3A_497 = vector.broadcast %scan3A_488 : i32 to vector<16xi32>
        %add3A_498 = arith.addi %get3A_443, %add3A_497 : vector<16xi32>
        %gather3A_499 = tpu.vector_load_idx %arg11[%add3A_12, %add3A_498] : memref<128x128xf32, #tpu.memory_space<vmem>>[vector<16xi32>, vector<16xi32>], vector<16xf32>,
        %add3A_500 = vector.broadcast %scan3A_488 : i32 to vector<16xi32>
        %add3A_501 = arith.addi %get3A_449, %add3A_500 : vector<16xi32>
        %gather3A_502 = tpu.vector_load_idx %arg11[%add3A_15, %add3A_501] : memref<128x128xf32, #tpu.memory_space<vmem>>[vector<16xi32>, vector<16xi32>], vector<16xf32>,
        %add3A_503 = vector.broadcast %scan3A_488 : i32 to vector<16xi32>
        %add3A_504 = arith.addi %get3A_455, %add3A_503 : vector<16xi32>
        %gather3A_505 = tpu.vector_load_idx %arg11[%add3A_18, %add3A_504] : memref<128x128xf32, #tpu.memory_space<vmem>>[vector<16xi32>, vector<16xi32>], vector<16xf32>,
        %add3A_506 = vector.broadcast %scan3A_488 : i32 to vector<16xi32>
        %add3A_507 = arith.addi %get3A_461, %add3A_506 : vector<16xi32>
        %gather3A_508 = tpu.vector_load_idx %arg11[%add3A_21, %add3A_507] : memref<128x128xf32, #tpu.memory_space<vmem>>[vector<16xi32>, vector<16xi32>], vector<16xf32>,
        %add3A_509 = vector.broadcast %scan3A_488 : i32 to vector<16xi32>
        %add3A_510 = arith.addi %get3A_467, %add3A_509 : vector<16xi32>
        %gather3A_511 = tpu.vector_load_idx %arg11[%add3A_24, %add3A_510] : memref<128x128xf32, #tpu.memory_space<vmem>>[vector<16xi32>, vector<16xi32>], vector<16xf32>,
        %swap3A = arith.index_cast %scan3A_488 : i32 to index
        %swap3A_512 = arith.constant 0 : index
        %swap3A_513 = tpu.vector_load %arg13[%swap3A, %swap3A_512] {strides = array<i32>} : memref<64x128xf32, #tpu.memory_space<vmem>>, vector<16xf32>,
        tpu.vector_store %arg13[%swap3A, %swap3A_512], %gather3A {strides = array<i32>} : memref<64x128xf32, #tpu.memory_space<vmem>>, vector<16xf32>,
        %swap3A_514 = arith.index_cast %scan3A_488 : i32 to index
        %swap3A_515 = arith.constant 16 : index
        %swap3A_516 = tpu.vector_load %arg13[%swap3A_514, %swap3A_515] {strides = array<i32>} : memref<64x128xf32, #tpu.memory_space<vmem>>, vector<16xf32>,
        tpu.vector_store %arg13[%swap3A_514, %swap3A_515], %gather3A_493 {strides = array<i32>} : memref<64x128xf32, #tpu.memory_space<vmem>>, vector<16xf32>,
        %swap3A_517 = arith.index_cast %scan3A_488 : i32 to index
        %swap3A_518 = arith.constant 32 : index
        %swap3A_519 = tpu.vector_load %arg13[%swap3A_517, %swap3A_518] {strides = array<i32>} : memref<64x128xf32, #tpu.memory_space<vmem>>, vector<16xf32>,
        tpu.vector_store %arg13[%swap3A_517, %swap3A_518], %gather3A_496 {strides = array<i32>} : memref<64x128xf32, #tpu.memory_space<vmem>>, vector<16xf32>,
        %swap3A_520 = arith.index_cast %scan3A_488 : i32 to index
        %swap3A_521 = arith.constant 48 : index
        %swap3A_522 = tpu.vector_load %arg13[%swap3A_520, %swap3A_521] {strides = array<i32>} : memref<64x128xf32, #tpu.memory_space<vmem>>, vector<16xf32>,
        tpu.vector_store %arg13[%swap3A_520, %swap3A_521], %gather3A_499 {strides = array<i32>} : memref<64x128xf32, #tpu.memory_space<vmem>>, vector<16xf32>,
        %swap3A_523 = arith.index_cast %scan3A_488 : i32 to index
        %swap3A_524 = arith.constant 64 : index
        %swap3A_525 = tpu.vector_load %arg13[%swap3A_523, %swap3A_524] {strides = array<i32>} : memref<64x128xf32, #tpu.memory_space<vmem>>, vector<16xf32>,
        tpu.vector_store %arg13[%swap3A_523, %swap3A_524], %gather3A_502 {strides = array<i32>} : memref<64x128xf32, #tpu.memory_space<vmem>>, vector<16xf32>,
        %swap3A_526 = arith.index_cast %scan3A_488 : i32 to index
        %swap3A_527 = arith.constant 80 : index
        %swap3A_528 = tpu.vector_load %arg13[%swap3A_526, %swap3A_527] {strides = array<i32>} : memref<64x128xf32, #tpu.memory_space<vmem>>, vector<16xf32>,
        tpu.vector_store %arg13[%swap3A_526, %swap3A_527], %gather3A_505 {strides = array<i32>} : memref<64x128xf32, #tpu.memory_space<vmem>>, vector<16xf32>,
        %swap3A_529 = arith.index_cast %scan3A_488 : i32 to index
        %swap3A_530 = arith.constant 96 : index
        %swap3A_531 = tpu.vector_load %arg13[%swap3A_529, %swap3A_530] {strides = array<i32>} : memref<64x128xf32, #tpu.memory_space<vmem>>, vector<16xf32>,
        tpu.vector_store %arg13[%swap3A_529, %swap3A_530], %gather3A_508 {strides = array<i32>} : memref<64x128xf32, #tpu.memory_space<vmem>>, vector<16xf32>,
        %swap3A_532 = arith.index_cast %scan3A_488 : i32 to index
        %swap3A_533 = arith.constant 112 : index
        %swap3A_534 = tpu.vector_load %arg13[%swap3A_532, %swap3A_533] {strides = array<i32>} : memref<64x128xf32, #tpu.memory_space<vmem>>, vector<16xf32>,
        tpu.vector_store %arg13[%swap3A_532, %swap3A_533], %gather3A_511 {strides = array<i32>} : memref<64x128xf32, #tpu.memory_space<vmem>>, vector<16xf32>,
      }
      %scan3A_472 = arith.constant 64 : i32
      %mul3A_473 = arith.constant 128 : i32
      %mul3A_474 = arith.muli %add3A, %mul3A_473 : i32
      %dma_start3A_475 = arith.constant 0 : i32
      %dma_start3A_476 = tpu.memref_slice %arg4[%add3A_408, %dma_start3A_475, %mul3A_474] : memref<50x64x4096xf32, #tpu.memory_space<hbm>> -> memref<1x64x128xf32, #tpu.memory_space<hbm>>
      %dma_start3A_477 = tpu.memref_squeeze %dma_start3A_476 : memref<1x64x128xf32, #tpu.memory_space<hbm>> -> memref<64x128xf32, #tpu.memory_space<hbm>>
      %dma_start3A_478 = arith.constant 0 : i32
      %dma_start3A_479 = tpu.memref_slice %arg4[%add3A_408, %dma_start3A_478, %mul3A_474] : memref<50x64x4096xf32, #tpu.memory_space<hbm>> -> memref<1x64x128xf32, #tpu.memory_space<hbm>>
      %dma_start3A_480 = tpu.memref_squeeze %dma_start3A_479 : memref<1x64x128xf32, #tpu.memory_space<hbm>> -> memref<64x128xf32, #tpu.memory_space<hbm>>
      tpu.enqueue_dma source(%arg13 : memref<64x128xf32, #tpu.memory_space<vmem>>) target(%dma_start3A_480 : memref<64x128xf32, #tpu.memory_space<hbm>>) target_semaphore(%arg19 : memref<!tpu.dma_semaphore, #tpu.memory_space<semaphore_mem>>)
      %add3A_481 = arith.constant 4 : i32
      %add3A_482 = arith.addi %add3A_408, %add3A_481 : i32
      %lt3A_483 = arith.constant 50 : i32
      %lt3A_484 = arith.cmpi slt, %add3A_482, %lt3A_483 : i32
      %convert_element_type3A_485 = arith.extui %lt3A_484 : i1 to i32
      %cond3A_486 = arith.constant 0 : i32
      %cond3A_487 = arith.cmpi ne, %convert_element_type3A_485, %cond3A_486 : i32
      scf.if %cond3A_487 {
        %add3A_488 = arith.constant 4 : i32
        %add3A_489 = arith.addi %add3A_408, %add3A_488 : i32
        %mul3A_490 = arith.constant 128 : i32
        %mul3A_491 = arith.muli %add3A_489, %mul3A_490 : i32
        %dma_start3A_492 = tpu.memref_slice %arg6[%mul3A_491] : memref<6400xi32, #tpu.memory_space<vmem>> -> memref<128xi32, #tpu.memory_space<vmem>>
        %dma_start3A_493 = arith.constant 0 : i32
        %dma_start3A_494 = arith.constant 0 : i32
        %dma_start3A_495 = tpu.memref_slice %arg3[%dma_start3A_493, %dma_start3A_494] : memref<507904x128xf32, #tpu.memory_space<hbm>> -> memref<507904x128xf32, #tpu.memory_space<hbm>>
        tpu.enqueue_indirect_dma source(%dma_start3A_495 : memref<507904x128xf32, #tpu.memory_space<hbm>>) target(%arg11 : memref<128x128xf32, #tpu.memory_space<vmem>>) offsets(%dma_start3A_492 : memref<128xi32, #tpu.memory_space<vmem>>) semaphore(%arg17 : memref<!tpu.dma_semaphore, #tpu.memory_space<semaphore_mem>>)
      } else {
      }
    }
    %scan3A_54 = arith.constant 12 : i32
    %dma_wait3A = arith.constant 6144 : i32
    %dma_wait3A_55 = tpu.memref_slice %arg6[%dma_wait3A] : memref<6400xi32, #tpu.memory_space<vmem>> -> memref<128xi32, #tpu.memory_space<vmem>>
    %dma_wait3A_56 = arith.constant 0 : i32
    %dma_wait3A_57 = arith.constant 0 : i32
    %dma_wait3A_58 = tpu.memref_slice %arg3[%dma_wait3A_56, %dma_wait3A_57] : memref<507904x128xf32, #tpu.memory_space<hbm>> -> memref<507904x128xf32, #tpu.memory_space<hbm>>
    tpu.wait_indirect_dma semaphore(%arg14 : memref<!tpu.dma_semaphore, #tpu.memory_space<semaphore_mem>>) src(%dma_wait3A_58 : memref<507904x128xf32, #tpu.memory_space<hbm>>) dst(%arg8 : memref<128x128xf32, #tpu.memory_space<vmem>>)
    %mul3A_59 = arith.constant 128 : i32
    %mul3A_60 = arith.muli %add3A, %mul3A_59 : i32
    %dma_wait3A_61 = arith.constant 46 : i32
    %dma_wait3A_62 = arith.constant 0 : i32
    %dma_wait3A_63 = tpu.memref_slice %arg4[%dma_wait3A_61, %dma_wait3A_62, %mul3A_60] : memref<50x64x4096xf32, #tpu.memory_space<hbm>> -> memref<1x64x128xf32, #tpu.memory_space<hbm>>
    %dma_wait3A_64 = tpu.memref_squeeze %dma_wait3A_63 : memref<1x64x128xf32, #tpu.memory_space<hbm>> -> memref<64x128xf32, #tpu.memory_space<hbm>>
    %dma_wait3A_65 = arith.constant 0 : i32
    %dma_wait3A_66 = tpu.memref_slice %arg4[%dma_wait3A_61, %dma_wait3A_65, %mul3A_60] : memref<50x64x4096xf32, #tpu.memory_space<hbm>> -> memref<1x64x128xf32, #tpu.memory_space<hbm>>
    %dma_wait3A_67 = tpu.memref_squeeze %dma_wait3A_66 : memref<1x64x128xf32, #tpu.memory_space<hbm>> -> memref<64x128xf32, #tpu.memory_space<hbm>>
    tpu.wait_dma2 semaphore(%arg18 : memref<!tpu.dma_semaphore, #tpu.memory_space<semaphore_mem>>) src(%arg12 : memref<64x128xf32, #tpu.memory_space<vmem>>) dst(%dma_wait3A_67 : memref<64x128xf32, #tpu.memory_space<hbm>>)
    %get3A = arith.constant 6144 : index
    %get3A_68 = tpu.vector_load %arg7[%get3A] {strides = array<i32>} : memref<6400xi32, #tpu.memory_space<vmem>>, vector<16xi32>,
    %get3A_69 = arith.constant 6160 : index
    %get3A_70 = tpu.vector_load %arg7[%get3A_69] {strides = array<i32>} : memref<6400xi32, #tpu.memory_space<vmem>>, vector<16xi32>,
    %get3A_71 = arith.constant 6176 : index
    %get3A_72 = tpu.vector_load %arg7[%get3A_71] {strides = array<i32>} : memref<6400xi32, #tpu.memory_space<vmem>>, vector<16xi32>,
    %get3A_73 = arith.constant 6192 : index
    %get3A_74 = tpu.vector_load %arg7[%get3A_73] {strides = array<i32>} : memref<6400xi32, #tpu.memory_space<vmem>>, vector<16xi32>,
    %get3A_75 = arith.constant 6208 : index
    %get3A_76 = tpu.vector_load %arg7[%get3A_75] {strides = array<i32>} : memref<6400xi32, #tpu.memory_space<vmem>>, vector<16xi32>,
    %get3A_77 = arith.constant 6224 : index
    %get3A_78 = tpu.vector_load %arg7[%get3A_77] {strides = array<i32>} : memref<6400xi32, #tpu.memory_space<vmem>>, vector<16xi32>,
    %get3A_79 = arith.constant 6240 : index
    %get3A_80 = tpu.vector_load %arg7[%get3A_79] {strides = array<i32>} : memref<6400xi32, #tpu.memory_space<vmem>>, vector<16xi32>,
    %get3A_81 = arith.constant 6256 : index
    %get3A_82 = tpu.vector_load %arg7[%get3A_81] {strides = array<i32>} : memref<6400xi32, #tpu.memory_space<vmem>>, vector<16xi32>,
    %scan3A_83 = arith.constant 0 : i32
    %scan3A_84 = arith.constant 64 : i32
    %scan3A_85 = arith.addi %scan3A_83, %scan3A_84 : i32
    %scan3A_86 = arith.constant 1 : i32
    scf.for %scan3A_159 = %scan3A_83 to %scan3A_85 step %scan3A_86  : i32 {
      %add3A_160 = vector.broadcast %scan3A_159 : i32 to vector<16xi32>
      %add3A_161 = arith.addi %get3A_68, %add3A_160 : vector<16xi32>
      %gather3A = tpu.vector_load_idx %arg8[%add3A_3, %add3A_161] : memref<128x128xf32, #tpu.memory_space<vmem>>[vector<16xi32>, vector<16xi32>], vector<16xf32>,
      %add3A_162 = vector.broadcast %scan3A_159 : i32 to vector<16xi32>
      %add3A_163 = arith.addi %get3A_70, %add3A_162 : vector<16xi32>
      %gather3A_164 = tpu.vector_load_idx %arg8[%add3A_6, %add3A_163] : memref<128x128xf32, #tpu.memory_space<vmem>>[vector<16xi32>, vector<16xi32>], vector<16xf32>,
      %add3A_165 = vector.broadcast %scan3A_159 : i32 to vector<16xi32>
      %add3A_166 = arith.addi %get3A_72, %add3A_165 : vector<16xi32>
      %gather3A_167 = tpu.vector_load_idx %arg8[%add3A_9, %add3A_166] : memref<128x128xf32, #tpu.memory_space<vmem>>[vector<16xi32>, vector<16xi32>], vector<16xf32>,
      %add3A_168 = vector.broadcast %scan3A_159 : i32 to vector<16xi32>
      %add3A_169 = arith.addi %get3A_74, %add3A_168 : vector<16xi32>
      %gather3A_170 = tpu.vector_load_idx %arg8[%add3A_12, %add3A_169] : memref<128x128xf32, #tpu.memory_space<vmem>>[vector<16xi32>, vector<16xi32>], vector<16xf32>,
      %add3A_171 = vector.broadcast %scan3A_159 : i32 to vector<16xi32>
      %add3A_172 = arith.addi %get3A_76, %add3A_171 : vector<16xi32>
      %gather3A_173 = tpu.vector_load_idx %arg8[%add3A_15, %add3A_172] : memref<128x128xf32, #tpu.memory_space<vmem>>[vector<16xi32>, vector<16xi32>], vector<16xf32>,
      %add3A_174 = vector.broadcast %scan3A_159 : i32 to vector<16xi32>
      %add3A_175 = arith.addi %get3A_78, %add3A_174 : vector<16xi32>
      %gather3A_176 = tpu.vector_load_idx %arg8[%add3A_18, %add3A_175] : memref<128x128xf32, #tpu.memory_space<vmem>>[vector<16xi32>, vector<16xi32>], vector<16xf32>,
      %add3A_177 = vector.broadcast %scan3A_159 : i32 to vector<16xi32>
      %add3A_178 = arith.addi %get3A_80, %add3A_177 : vector<16xi32>
      %gather3A_179 = tpu.vector_load_idx %arg8[%add3A_21, %add3A_178] : memref<128x128xf32, #tpu.memory_space<vmem>>[vector<16xi32>, vector<16xi32>], vector<16xf32>,
      %add3A_180 = vector.broadcast %scan3A_159 : i32 to vector<16xi32>
      %add3A_181 = arith.addi %get3A_82, %add3A_180 : vector<16xi32>
      %gather3A_182 = tpu.vector_load_idx %arg8[%add3A_24, %add3A_181] : memref<128x128xf32, #tpu.memory_space<vmem>>[vector<16xi32>, vector<16xi32>], vector<16xf32>,
      %swap3A = arith.index_cast %scan3A_159 : i32 to index
      %swap3A_183 = arith.constant 0 : index
      %swap3A_184 = tpu.vector_load %arg12[%swap3A, %swap3A_183] {strides = array<i32>} : memref<64x128xf32, #tpu.memory_space<vmem>>, vector<16xf32>,
      tpu.vector_store %arg12[%swap3A, %swap3A_183], %gather3A {strides = array<i32>} : memref<64x128xf32, #tpu.memory_space<vmem>>, vector<16xf32>,
      %swap3A_185 = arith.index_cast %scan3A_159 : i32 to index
      %swap3A_186 = arith.constant 16 : index
      %swap3A_187 = tpu.vector_load %arg12[%swap3A_185, %swap3A_186] {strides = array<i32>} : memref<64x128xf32, #tpu.memory_space<vmem>>, vector<16xf32>,
      tpu.vector_store %arg12[%swap3A_185, %swap3A_186], %gather3A_164 {strides = array<i32>} : memref<64x128xf32, #tpu.memory_space<vmem>>, vector<16xf32>,
      %swap3A_188 = arith.index_cast %scan3A_159 : i32 to index
      %swap3A_189 = arith.constant 32 : index
      %swap3A_190 = tpu.vector_load %arg12[%swap3A_188, %swap3A_189] {strides = array<i32>} : memref<64x128xf32, #tpu.memory_space<vmem>>, vector<16xf32>,
      tpu.vector_store %arg12[%swap3A_188, %swap3A_189], %gather3A_167 {strides = array<i32>} : memref<64x128xf32, #tpu.memory_space<vmem>>, vector<16xf32>,
      %swap3A_191 = arith.index_cast %scan3A_159 : i32 to index
      %swap3A_192 = arith.constant 48 : index
      %swap3A_193 = tpu.vector_load %arg12[%swap3A_191, %swap3A_192] {strides = array<i32>} : memref<64x128xf32, #tpu.memory_space<vmem>>, vector<16xf32>,
      tpu.vector_store %arg12[%swap3A_191, %swap3A_192], %gather3A_170 {strides = array<i32>} : memref<64x128xf32, #tpu.memory_space<vmem>>, vector<16xf32>,
      %swap3A_194 = arith.index_cast %scan3A_159 : i32 to index
      %swap3A_195 = arith.constant 64 : index
      %swap3A_196 = tpu.vector_load %arg12[%swap3A_194, %swap3A_195] {strides = array<i32>} : memref<64x128xf32, #tpu.memory_space<vmem>>, vector<16xf32>,
      tpu.vector_store %arg12[%swap3A_194, %swap3A_195], %gather3A_173 {strides = array<i32>} : memref<64x128xf32, #tpu.memory_space<vmem>>, vector<16xf32>,
      %swap3A_197 = arith.index_cast %scan3A_159 : i32 to index
      %swap3A_198 = arith.constant 80 : index
      %swap3A_199 = tpu.vector_load %arg12[%swap3A_197, %swap3A_198] {strides = array<i32>} : memref<64x128xf32, #tpu.memory_space<vmem>>, vector<16xf32>,
      tpu.vector_store %arg12[%swap3A_197, %swap3A_198], %gather3A_176 {strides = array<i32>} : memref<64x128xf32, #tpu.memory_space<vmem>>, vector<16xf32>,
      %swap3A_200 = arith.index_cast %scan3A_159 : i32 to index
      %swap3A_201 = arith.constant 96 : index
      %swap3A_202 = tpu.vector_load %arg12[%swap3A_200, %swap3A_201] {strides = array<i32>} : memref<64x128xf32, #tpu.memory_space<vmem>>, vector<16xf32>,
      tpu.vector_store %arg12[%swap3A_200, %swap3A_201], %gather3A_179 {strides = array<i32>} : memref<64x128xf32, #tpu.memory_space<vmem>>, vector<16xf32>,
      %swap3A_203 = arith.index_cast %scan3A_159 : i32 to index
      %swap3A_204 = arith.constant 112 : index
      %swap3A_205 = tpu.vector_load %arg12[%swap3A_203, %swap3A_204] {strides = array<i32>} : memref<64x128xf32, #tpu.memory_space<vmem>>, vector<16xf32>,
      tpu.vector_store %arg12[%swap3A_203, %swap3A_204], %gather3A_182 {strides = array<i32>} : memref<64x128xf32, #tpu.memory_space<vmem>>, vector<16xf32>,
    }
    %scan3A_87 = arith.constant 64 : i32
    %mul3A_88 = arith.constant 128 : i32
    %mul3A_89 = arith.muli %add3A, %mul3A_88 : i32
    %dma_start3A_90 = arith.constant 48 : i32
    %dma_start3A_91 = arith.constant 0 : i32
    %dma_start3A_92 = tpu.memref_slice %arg4[%dma_start3A_90, %dma_start3A_91, %mul3A_89] : memref<50x64x4096xf32, #tpu.memory_space<hbm>> -> memref<1x64x128xf32, #tpu.memory_space<hbm>>
    %dma_start3A_93 = tpu.memref_squeeze %dma_start3A_92 : memref<1x64x128xf32, #tpu.memory_space<hbm>> -> memref<64x128xf32, #tpu.memory_space<hbm>>
    %dma_start3A_94 = arith.constant 0 : i32
    %dma_start3A_95 = tpu.memref_slice %arg4[%dma_start3A_90, %dma_start3A_94, %mul3A_89] : memref<50x64x4096xf32, #tpu.memory_space<hbm>> -> memref<1x64x128xf32, #tpu.memory_space<hbm>>
    %dma_start3A_96 = tpu.memref_squeeze %dma_start3A_95 : memref<1x64x128xf32, #tpu.memory_space<hbm>> -> memref<64x128xf32, #tpu.memory_space<hbm>>
    tpu.enqueue_dma source(%arg12 : memref<64x128xf32, #tpu.memory_space<vmem>>) target(%dma_start3A_96 : memref<64x128xf32, #tpu.memory_space<hbm>>) target_semaphore(%arg18 : memref<!tpu.dma_semaphore, #tpu.memory_space<semaphore_mem>>)
    %dma_wait3A_97 = arith.constant 6272 : i32
    %dma_wait3A_98 = tpu.memref_slice %arg6[%dma_wait3A_97] : memref<6400xi32, #tpu.memory_space<vmem>> -> memref<128xi32, #tpu.memory_space<vmem>>
    %dma_wait3A_99 = arith.constant 0 : i32
    %dma_wait3A_100 = arith.constant 0 : i32
    %dma_wait3A_101 = tpu.memref_slice %arg3[%dma_wait3A_99, %dma_wait3A_100] : memref<507904x128xf32, #tpu.memory_space<hbm>> -> memref<507904x128xf32, #tpu.memory_space<hbm>>
    tpu.wait_indirect_dma semaphore(%arg15 : memref<!tpu.dma_semaphore, #tpu.memory_space<semaphore_mem>>) src(%dma_wait3A_101 : memref<507904x128xf32, #tpu.memory_space<hbm>>) dst(%arg9 : memref<128x128xf32, #tpu.memory_space<vmem>>)
    %mul3A_102 = arith.constant 128 : i32
    %mul3A_103 = arith.muli %add3A, %mul3A_102 : i32
    %dma_wait3A_104 = arith.constant 47 : i32
    %dma_wait3A_105 = arith.constant 0 : i32
    %dma_wait3A_106 = tpu.memref_slice %arg4[%dma_wait3A_104, %dma_wait3A_105, %mul3A_103] : memref<50x64x4096xf32, #tpu.memory_space<hbm>> -> memref<1x64x128xf32, #tpu.memory_space<hbm>>
    %dma_wait3A_107 = tpu.memref_squeeze %dma_wait3A_106 : memref<1x64x128xf32, #tpu.memory_space<hbm>> -> memref<64x128xf32, #tpu.memory_space<hbm>>
    %dma_wait3A_108 = arith.constant 0 : i32
    %dma_wait3A_109 = tpu.memref_slice %arg4[%dma_wait3A_104, %dma_wait3A_108, %mul3A_103] : memref<50x64x4096xf32, #tpu.memory_space<hbm>> -> memref<1x64x128xf32, #tpu.memory_space<hbm>>
    %dma_wait3A_110 = tpu.memref_squeeze %dma_wait3A_109 : memref<1x64x128xf32, #tpu.memory_space<hbm>> -> memref<64x128xf32, #tpu.memory_space<hbm>>
    tpu.wait_dma2 semaphore(%arg19 : memref<!tpu.dma_semaphore, #tpu.memory_space<semaphore_mem>>) src(%arg13 : memref<64x128xf32, #tpu.memory_space<vmem>>) dst(%dma_wait3A_110 : memref<64x128xf32, #tpu.memory_space<hbm>>)
    %get3A_111 = arith.constant 6272 : index
    %get3A_112 = tpu.vector_load %arg7[%get3A_111] {strides = array<i32>} : memref<6400xi32, #tpu.memory_space<vmem>>, vector<16xi32>,
    %get3A_113 = arith.constant 6288 : index
    %get3A_114 = tpu.vector_load %arg7[%get3A_113] {strides = array<i32>} : memref<6400xi32, #tpu.memory_space<vmem>>, vector<16xi32>,
    %get3A_115 = arith.constant 6304 : index
    %get3A_116 = tpu.vector_load %arg7[%get3A_115] {strides = array<i32>} : memref<6400xi32, #tpu.memory_space<vmem>>, vector<16xi32>,
    %get3A_117 = arith.constant 6320 : index
    %get3A_118 = tpu.vector_load %arg7[%get3A_117] {strides = array<i32>} : memref<6400xi32, #tpu.memory_space<vmem>>, vector<16xi32>,
    %get3A_119 = arith.constant 6336 : index
    %get3A_120 = tpu.vector_load %arg7[%get3A_119] {strides = array<i32>} : memref<6400xi32, #tpu.memory_space<vmem>>, vector<16xi32>,
    %get3A_121 = arith.constant 6352 : index
    %get3A_122 = tpu.vector_load %arg7[%get3A_121] {strides = array<i32>} : memref<6400xi32, #tpu.memory_space<vmem>>, vector<16xi32>,
    %get3A_123 = arith.constant 6368 : index
    %get3A_124 = tpu.vector_load %arg7[%get3A_123] {strides = array<i32>} : memref<6400xi32, #tpu.memory_space<vmem>>, vector<16xi32>,
    %get3A_125 = arith.constant 6384 : index
    %get3A_126 = tpu.vector_load %arg7[%get3A_125] {strides = array<i32>} : memref<6400xi32, #tpu.memory_space<vmem>>, vector<16xi32>,
    %scan3A_127 = arith.constant 0 : i32
    %scan3A_128 = arith.constant 64 : i32
    %scan3A_129 = arith.addi %scan3A_127, %scan3A_128 : i32
    %scan3A_130 = arith.constant 1 : i32
    scf.for %scan3A_159 = %scan3A_127 to %scan3A_129 step %scan3A_130  : i32 {
      %add3A_160 = vector.broadcast %scan3A_159 : i32 to vector<16xi32>
      %add3A_161 = arith.addi %get3A_112, %add3A_160 : vector<16xi32>
      %gather3A = tpu.vector_load_idx %arg9[%add3A_3, %add3A_161] : memref<128x128xf32, #tpu.memory_space<vmem>>[vector<16xi32>, vector<16xi32>], vector<16xf32>,
      %add3A_162 = vector.broadcast %scan3A_159 : i32 to vector<16xi32>
      %add3A_163 = arith.addi %get3A_114, %add3A_162 : vector<16xi32>
      %gather3A_164 = tpu.vector_load_idx %arg9[%add3A_6, %add3A_163] : memref<128x128xf32, #tpu.memory_space<vmem>>[vector<16xi32>, vector<16xi32>], vector<16xf32>,
      %add3A_165 = vector.broadcast %scan3A_159 : i32 to vector<16xi32>
      %add3A_166 = arith.addi %get3A_116, %add3A_165 : vector<16xi32>
      %gather3A_167 = tpu.vector_load_idx %arg9[%add3A_9, %add3A_166] : memref<128x128xf32, #tpu.memory_space<vmem>>[vector<16xi32>, vector<16xi32>], vector<16xf32>,
      %add3A_168 = vector.broadcast %scan3A_159 : i32 to vector<16xi32>
      %add3A_169 = arith.addi %get3A_118, %add3A_168 : vector<16xi32>
      %gather3A_170 = tpu.vector_load_idx %arg9[%add3A_12, %add3A_169] : memref<128x128xf32, #tpu.memory_space<vmem>>[vector<16xi32>, vector<16xi32>], vector<16xf32>,
      %add3A_171 = vector.broadcast %scan3A_159 : i32 to vector<16xi32>
      %add3A_172 = arith.addi %get3A_120, %add3A_171 : vector<16xi32>
      %gather3A_173 = tpu.vector_load_idx %arg9[%add3A_15, %add3A_172] : memref<128x128xf32, #tpu.memory_space<vmem>>[vector<16xi32>, vector<16xi32>], vector<16xf32>,
      %add3A_174 = vector.broadcast %scan3A_159 : i32 to vector<16xi32>
      %add3A_175 = arith.addi %get3A_122, %add3A_174 : vector<16xi32>
      %gather3A_176 = tpu.vector_load_idx %arg9[%add3A_18, %add3A_175] : memref<128x128xf32, #tpu.memory_space<vmem>>[vector<16xi32>, vector<16xi32>], vector<16xf32>,
      %add3A_177 = vector.broadcast %scan3A_159 : i32 to vector<16xi32>
      %add3A_178 = arith.addi %get3A_124, %add3A_177 : vector<16xi32>
      %gather3A_179 = tpu.vector_load_idx %arg9[%add3A_21, %add3A_178] : memref<128x128xf32, #tpu.memory_space<vmem>>[vector<16xi32>, vector<16xi32>], vector<16xf32>,
      %add3A_180 = vector.broadcast %scan3A_159 : i32 to vector<16xi32>
      %add3A_181 = arith.addi %get3A_126, %add3A_180 : vector<16xi32>
      %gather3A_182 = tpu.vector_load_idx %arg9[%add3A_24, %add3A_181] : memref<128x128xf32, #tpu.memory_space<vmem>>[vector<16xi32>, vector<16xi32>], vector<16xf32>,
      %swap3A = arith.index_cast %scan3A_159 : i32 to index
      %swap3A_183 = arith.constant 0 : index
      %swap3A_184 = tpu.vector_load %arg13[%swap3A, %swap3A_183] {strides = array<i32>} : memref<64x128xf32, #tpu.memory_space<vmem>>, vector<16xf32>,
      tpu.vector_store %arg13[%swap3A, %swap3A_183], %gather3A {strides = array<i32>} : memref<64x128xf32, #tpu.memory_space<vmem>>, vector<16xf32>,
      %swap3A_185 = arith.index_cast %scan3A_159 : i32 to index
      %swap3A_186 = arith.constant 16 : index
      %swap3A_187 = tpu.vector_load %arg13[%swap3A_185, %swap3A_186] {strides = array<i32>} : memref<64x128xf32, #tpu.memory_space<vmem>>, vector<16xf32>,
      tpu.vector_store %arg13[%swap3A_185, %swap3A_186], %gather3A_164 {strides = array<i32>} : memref<64x128xf32, #tpu.memory_space<vmem>>, vector<16xf32>,
      %swap3A_188 = arith.index_cast %scan3A_159 : i32 to index
      %swap3A_189 = arith.constant 32 : index
      %swap3A_190 = tpu.vector_load %arg13[%swap3A_188, %swap3A_189] {strides = array<i32>} : memref<64x128xf32, #tpu.memory_space<vmem>>, vector<16xf32>,
      tpu.vector_store %arg13[%swap3A_188, %swap3A_189], %gather3A_167 {strides = array<i32>} : memref<64x128xf32, #tpu.memory_space<vmem>>, vector<16xf32>,
      %swap3A_191 = arith.index_cast %scan3A_159 : i32 to index
      %swap3A_192 = arith.constant 48 : index
      %swap3A_193 = tpu.vector_load %arg13[%swap3A_191, %swap3A_192] {strides = array<i32>} : memref<64x128xf32, #tpu.memory_space<vmem>>, vector<16xf32>,
      tpu.vector_store %arg13[%swap3A_191, %swap3A_192], %gather3A_170 {strides = array<i32>} : memref<64x128xf32, #tpu.memory_space<vmem>>, vector<16xf32>,
      %swap3A_194 = arith.index_cast %scan3A_159 : i32 to index
      %swap3A_195 = arith.constant 64 : index
      %swap3A_196 = tpu.vector_load %arg13[%swap3A_194, %swap3A_195] {strides = array<i32>} : memref<64x128xf32, #tpu.memory_space<vmem>>, vector<16xf32>,
      tpu.vector_store %arg13[%swap3A_194, %swap3A_195], %gather3A_173 {strides = array<i32>} : memref<64x128xf32, #tpu.memory_space<vmem>>, vector<16xf32>,
      %swap3A_197 = arith.index_cast %scan3A_159 : i32 to index
      %swap3A_198 = arith.constant 80 : index
      %swap3A_199 = tpu.vector_load %arg13[%swap3A_197, %swap3A_198] {strides = array<i32>} : memref<64x128xf32, #tpu.memory_space<vmem>>, vector<16xf32>,
      tpu.vector_store %arg13[%swap3A_197, %swap3A_198], %gather3A_176 {strides = array<i32>} : memref<64x128xf32, #tpu.memory_space<vmem>>, vector<16xf32>,
      %swap3A_200 = arith.index_cast %scan3A_159 : i32 to index
      %swap3A_201 = arith.constant 96 : index
      %swap3A_202 = tpu.vector_load %arg13[%swap3A_200, %swap3A_201] {strides = array<i32>} : memref<64x128xf32, #tpu.memory_space<vmem>>, vector<16xf32>,
      tpu.vector_store %arg13[%swap3A_200, %swap3A_201], %gather3A_179 {strides = array<i32>} : memref<64x128xf32, #tpu.memory_space<vmem>>, vector<16xf32>,
      %swap3A_203 = arith.index_cast %scan3A_159 : i32 to index
      %swap3A_204 = arith.constant 112 : index
      %swap3A_205 = tpu.vector_load %arg13[%swap3A_203, %swap3A_204] {strides = array<i32>} : memref<64x128xf32, #tpu.memory_space<vmem>>, vector<16xf32>,
      tpu.vector_store %arg13[%swap3A_203, %swap3A_204], %gather3A_182 {strides = array<i32>} : memref<64x128xf32, #tpu.memory_space<vmem>>, vector<16xf32>,
    }
    %scan3A_131 = arith.constant 64 : i32
    %mul3A_132 = arith.constant 128 : i32
    %mul3A_133 = arith.muli %add3A, %mul3A_132 : i32
    %dma_start3A_134 = arith.constant 49 : i32
    %dma_start3A_135 = arith.constant 0 : i32
    %dma_start3A_136 = tpu.memref_slice %arg4[%dma_start3A_134, %dma_start3A_135, %mul3A_133] : memref<50x64x4096xf32, #tpu.memory_space<hbm>> -> memref<1x64x128xf32, #tpu.memory_space<hbm>>
    %dma_start3A_137 = tpu.memref_squeeze %dma_start3A_136 : memref<1x64x128xf32, #tpu.memory_space<hbm>> -> memref<64x128xf32, #tpu.memory_space<hbm>>
    %dma_start3A_138 = arith.constant 0 : i32
    %dma_start3A_139 = tpu.memref_slice %arg4[%dma_start3A_134, %dma_start3A_138, %mul3A_133] : memref<50x64x4096xf32, #tpu.memory_space<hbm>> -> memref<1x64x128xf32, #tpu.memory_space<hbm>>
    %dma_start3A_140 = tpu.memref_squeeze %dma_start3A_139 : memref<1x64x128xf32, #tpu.memory_space<hbm>> -> memref<64x128xf32, #tpu.memory_space<hbm>>
    tpu.enqueue_dma source(%arg13 : memref<64x128xf32, #tpu.memory_space<vmem>>) target(%dma_start3A_140 : memref<64x128xf32, #tpu.memory_space<hbm>>) target_semaphore(%arg19 : memref<!tpu.dma_semaphore, #tpu.memory_space<semaphore_mem>>)
    %mul3A_141 = arith.constant 128 : i32
    %mul3A_142 = arith.muli %add3A, %mul3A_141 : i32
    %dma_wait3A_143 = arith.constant 48 : i32
    %dma_wait3A_144 = arith.constant 0 : i32
    %dma_wait3A_145 = tpu.memref_slice %arg4[%dma_wait3A_143, %dma_wait3A_144, %mul3A_142] : memref<50x64x4096xf32, #tpu.memory_space<hbm>> -> memref<1x64x128xf32, #tpu.memory_space<hbm>>
    %dma_wait3A_146 = tpu.memref_squeeze %dma_wait3A_145 : memref<1x64x128xf32, #tpu.memory_space<hbm>> -> memref<64x128xf32, #tpu.memory_space<hbm>>
    %dma_wait3A_147 = arith.constant 0 : i32
    %dma_wait3A_148 = tpu.memref_slice %arg4[%dma_wait3A_143, %dma_wait3A_147, %mul3A_142] : memref<50x64x4096xf32, #tpu.memory_space<hbm>> -> memref<1x64x128xf32, #tpu.memory_space<hbm>>
    %dma_wait3A_149 = tpu.memref_squeeze %dma_wait3A_148 : memref<1x64x128xf32, #tpu.memory_space<hbm>> -> memref<64x128xf32, #tpu.memory_space<hbm>>
    tpu.wait_dma2 semaphore(%arg18 : memref<!tpu.dma_semaphore, #tpu.memory_space<semaphore_mem>>) src(%arg12 : memref<64x128xf32, #tpu.memory_space<vmem>>) dst(%dma_wait3A_149 : memref<64x128xf32, #tpu.memory_space<hbm>>)
    %mul3A_150 = arith.constant 128 : i32
    %mul3A_151 = arith.muli %add3A, %mul3A_150 : i32
    %dma_wait3A_152 = arith.constant 49 : i32
    %dma_wait3A_153 = arith.constant 0 : i32
    %dma_wait3A_154 = tpu.memref_slice %arg4[%dma_wait3A_152, %dma_wait3A_153, %mul3A_151] : memref<50x64x4096xf32, #tpu.memory_space<hbm>> -> memref<1x64x128xf32, #tpu.memory_space<hbm>>
    %dma_wait3A_155 = tpu.memref_squeeze %dma_wait3A_154 : memref<1x64x128xf32, #tpu.memory_space<hbm>> -> memref<64x128xf32, #tpu.memory_space<hbm>>
    %dma_wait3A_156 = arith.constant 0 : i32
    %dma_wait3A_157 = tpu.memref_slice %arg4[%dma_wait3A_152, %dma_wait3A_156, %mul3A_151] : memref<50x64x4096xf32, #tpu.memory_space<hbm>> -> memref<1x64x128xf32, #tpu.memory_space<hbm>>
    %dma_wait3A_158 = tpu.memref_squeeze %dma_wait3A_157 : memref<1x64x128xf32, #tpu.memory_space<hbm>> -> memref<64x128xf32, #tpu.memory_space<hbm>>
    tpu.wait_dma2 semaphore(%arg19 : memref<!tpu.dma_semaphore, #tpu.memory_space<semaphore_mem>>) src(%arg13 : memref<64x128xf32, #tpu.memory_space<vmem>>) dst(%dma_wait3A_158 : memref<64x128xf32, #tpu.memory_space<hbm>>)
    return
  }
}

module attributes {stable_mosaic.version = 14 : i64} {
  func.func @_pack_body(%arg0: i32, %arg1: memref<64x8192xf32, #tpu.memory_space<vmem>>, %arg2: memref<64x8192xf32, #tpu.memory_space<vmem>>, %arg3: memref<8192x128xf32, #tpu.memory_space<vmem>>) attributes {dimension_semantics = [#tpu.dimension_semantics<parallel>], iteration_bounds = array<i64: 62>, scalar_prefetch = 0 : i64, scratch_operands = 0 : i64, tpu.core_type = #tpu.core_type<tc>, window_params = [{transform_indices = @transform_0, window_bounds = array<i64: 64, 8192>}, {transform_indices = @transform_1, window_bounds = array<i64: 64, 8192>}, {transform_indices = @transform_2, window_bounds = array<i64: 8192, 128>}]} {
    %get3A = arith.constant 0 : index
    %get3A_0 = arith.constant 0 : index
    %get3A_1 = vector.load %arg1[%get3A, %get3A_0] : memref<64x8192xf32, #tpu.memory_space<vmem>>, vector<64x8192xf32>
    %transpose3A = tpu.transpose %get3A_1, [1, 0] : vector<64x8192xf32> -> vector<8192x64xf32>
    %swap3A = arith.constant 0 : index
    %swap3A_2 = arith.constant 0 : index
    %swap3A_3 = vector.load %arg3[%swap3A, %swap3A_2] : memref<8192x128xf32, #tpu.memory_space<vmem>>, vector<8192x64xf32>
    tpu.vector_store %arg3[%swap3A, %swap3A_2], %transpose3A {strides = array<i32>} : memref<8192x128xf32, #tpu.memory_space<vmem>>, vector<8192x64xf32>,
    %get3A_4 = arith.constant 0 : index
    %get3A_5 = arith.constant 0 : index
    %get3A_6 = vector.load %arg2[%get3A_4, %get3A_5] : memref<64x8192xf32, #tpu.memory_space<vmem>>, vector<64x8192xf32>
    %transpose3A_7 = tpu.transpose %get3A_6, [1, 0] : vector<64x8192xf32> -> vector<8192x64xf32>
    %swap3A_8 = arith.constant 0 : index
    %swap3A_9 = arith.constant 64 : index
    %swap3A_10 = vector.load %arg3[%swap3A_8, %swap3A_9] : memref<8192x128xf32, #tpu.memory_space<vmem>>, vector<8192x64xf32>
    tpu.vector_store %arg3[%swap3A_8, %swap3A_9], %transpose3A_7 {strides = array<i32>} : memref<8192x128xf32, #tpu.memory_space<vmem>>, vector<8192x64xf32>,
    return
  }
  func.func @transform_0(%arg0: i32) -> (i32, i32) {
    %c0_i32 = arith.constant 0 : i32
    %c0_i32_0 = arith.constant 0 : i32
    return %c0_i32, %arg0 : i32, i32
  }
  func.func @transform_1(%arg0: i32) -> (i32, i32) {
    %add3A = arith.constant 62 : i32
    %add3A_0 = arith.addi %arg0, %add3A : i32
    %sub3A = arith.constant 1 : i32
    %sub3A_1 = arith.subi %add3A_0, %sub3A : i32
    %c0_i32 = arith.constant 0 : i32
    %c0_i32_2 = arith.constant 0 : i32
    return %c0_i32, %sub3A_1 : i32, i32
  }
  func.func @transform_2(%arg0: i32) -> (i32, i32) {
    %c0_i32 = arith.constant 0 : i32
    %c0_i32_0 = arith.constant 0 : i32
    return %arg0, %c0_i32 : i32, i32
  }
}

</mosaic_0001>

<sc_bundles>
// kernel: kernel.4.cloned.1.call-start
scs
__scs_entry_jumppad:
0x0: {  	(pc) =	sbr.rel $0x88, $3  }
0x1: {  	(tag) =	ssettag $0x0;
	lr =	simm.s32 $0x1  }
0x2: {  	[smem:$0x3F9F] =	sst lr;
	_ =	strace $0xD0000000  }
0x3: {  	_ = 	snop  }
0x4: {  	_ = 	snop  }
0x5: {  	_ = 	snop  }
0x6: {  	_ = 	snop  }
0x7: {  	_ = 	snop  }
__scs_overlays_trampoline_lowered:
0x8: {  	[smem:$0x3FAE] =	sst s0  }
0x9: {  	[smem:$0x3FAF] =	sst s1  }
0xa: {  	[smem:$0x3FB0] =	sst s2  }
0xb: {  	[smem:$0x3FB1] =	sst s3  }
0xc: {  	[smem:$0x3FB2] =	sst s4  }
0xd: {  	[smem:$0x3FB3] =	sst s5  }
0xe: {  	[smem:$0x3FB4] =	sst s6  }
0xf: {  	[smem:$0x3FB5] =	sst s7  }
0x10: {  	[smem:$0x3FB6] =	sst s8  }
0x11: {  	[smem:$0x3FB7] =	sst s9;
	s0 =	simm.s32 @!p0 $0x0  }
0x12: {  	s1 =	sld [smem:$0x3F9D];
	s0 =	simm.s32 @p0 $0x1  }
0x13: {  	[smem:$0x3FB8] =	sst s0;
	s0 =	simm.s32 @!p1 $0x0  }
0x14: {  	s2 =	sld [smem:$0x3F9C];
	s0 =	simm.s32 @p1 $0x1  }
0x15: {  	[smem:$0x3FB9] =	sst s0;
	s0 =	simm.s32 @!p2 $0x0  }
0x16: {  	s3 =	sld [smem:$0x3FDB];
	s0 =	simm.s32 @p2 $0x1  }
0x17: {  	s4 =	simm.s32 $0x1BF5;
	[smem:$0x3FBB] =	sst s0  }
0x18: {  	s0 =	sld [smem:$0x3F9E];
	_ =	swait.ge [sflag:s4], $0x0  }
0x19: {  	s7 =	sld [smem:$0x3F9F]  }
0x1a: {  	s8 =	sadd.s32 $0xFFFFE003, lr  }
0x1b: {  	s9 =	sadd.s32 $0xFFFFFEF7, lr;
	s5 =	simm.s32 $0xFFFFFFFF;
	p2 =	slt.u32 s8, $0xFFFFF086  }
0x1c: {  	p1 =	slt.u32 s9, $0xF7A;
	s5 =	simm.s32 @!p2 $0x0  }
0x1d: {  	s5 =	simm.s32 @p1 $0x1;
	p0 =	seq.s32 s7, s2  }
0x1e: {  	s7 =	smul.u32 @!p0 $0xF7A, s2;
	p2 =	seq.s32 @!p0 s5, $0x0  }
0x1f: {  	s9 =	smul.u32 $0xF7A, s1;
	s8 =	simm.s32 @!p0 $0x1BF5;
	p2 =	por !p2, p0  }
0x20: {  	[sflag:s8] =	ssyncset.s32 @!p0 $0xFFFFF086;
	s6 =	sadd.s32 @!p0 s3, s7;
	s7 =	simm.s32 @!p0 $0x108  }
0x21: {  	s3 =	sadd.s32 s3, s9;
	s6 =	sadd.s32 @!p0 $0x88, s6;
	s7 =	simm.s32 @p2 $0x1082  }
0x22: {  	[simem:s7], [sflag:s8] =	dma.local @!p0 [hbm:s6], $0xF7A  }
0x23: {  	s9 =	sor.u32 $0xD0000000, s2;
	s6 =	simm.s32 $0x108;
	_ =	swait.ge @!p0 [sflag:s8], $0x0  }
0x24: {  	s3 =	sadd.s32 $0x88, s3;
	s6 =	simm.s32 @!p1 $0x1082;
	[sflag:s4] =	ssyncset.s32 $0xFFFFF086  }
0x25: {  	[simem:s6], [sflag:s4] =	dma.local [hbm:s3], $0xF7A  }
0x26: {  	[smem:$0x3F9F] =	sst s1;
	(tag) =	ssettag s2;
	_ =	strace s9  }
0x27: {  	s1 =	sld [smem:$0x3FAF]  }
0x28: {  	s2 =	sld [smem:$0x3FB0]  }
0x29: {  	s4 =	sld [smem:$0x3FB2]  }
0x2a: {  	p0 =	seq.s32 s5, $0x0;
	s5 =	sld [smem:$0x3FB3]  }
0x2b: {  	s6 =	sld [smem:$0x3FB4]  }
0x2c: {  	s7 =	sld [smem:$0x3FB5]  }
0x2d: {  	s3 =	simm.s32 $0x108;
	s8 =	sld [smem:$0x3FB6]  }
0x2e: {  	s3 =	simm.s32 @!p0 $0x1082;
	s9 =	sld [smem:$0x3FB7]  }
0x2f: {  	lr =	sadd.s32 s0, s3;
	s0 =	sld [smem:$0x3FAE]  }
0x30: {  	s3 =	sld [smem:$0x3FB1]  }
0x31: {  	[smem:$0x3FBA] =	sst s10  }
0x32: {  	s10 =	sld [smem:$0x3FB8];
	_ =	sdelay $0x3  }
0x33: {  	p0 =	seq.s32 s10, $0x1;
	s10 =	sld [smem:$0x3FBA];
	_ =	sdelay $0x3  }
0x34: {  	[smem:$0x3FBA] =	sst s10  }
0x35: {  	s10 =	sld [smem:$0x3FB9];
	_ =	sdelay $0x3  }
0x36: {  	p1 =	seq.s32 s10, $0x1;
	s10 =	sld [smem:$0x3FBA];
	_ =	sdelay $0x3  }
0x37: {  	[smem:$0x3FBA] =	sst s10  }
0x38: {  	s10 =	sld [smem:$0x3FBB]  }
0x39: {  	_ = 	snop;
	(pc) =	sbr.ind lr, $3  }
0x3a: {  	_ = 	snop  }
0x3b: {  	_ = 	snop  }
0x3c: {  	p2 =	seq.s32 s10, $0x1;
	s10 =	sld [smem:$0x3FBA]  }
0x3d: {  	_ =	shalt  }
0x3e: {  	_ =	shalt  }
0x3f: {  	_ =	shalt  }
0x40: {  	_ =	shalt  }
0x41: {  	_ =	shalt  }
0x42: {  	_ =	shalt  }
0x43: {  	_ =	shalt  }
0x44: {  	_ =	shalt  }
0x45: {  	_ =	shalt  }
0x46: {  	_ =	shalt  }
0x47: {  	_ =	shalt  }
0x48: {  	_ =	shalt  }
0x49: {  	_ =	shalt  }
0x4a: {  	_ =	shalt  }
0x4b: {  	_ =	shalt  }
0x4c: {  	_ =	shalt  }
0x4d: {  	_ =	shalt  }
0x4e: {  	_ =	shalt  }
0x4f: {  	_ =	shalt  }
0x50: {  	_ =	shalt  }
0x51: {  	_ =	shalt  }
0x52: {  	_ =	shalt  }
0x53: {  	_ =	shalt  }
0x54: {  	_ =	shalt  }
0x55: {  	_ =	shalt  }
0x56: {  	_ =	shalt  }
0x57: {  	_ =	shalt  }
0x58: {  	_ =	shalt  }
0x59: {  	_ =	shalt  }
0x5a: {  	_ =	shalt  }
0x5b: {  	_ =	shalt  }
0x5c: {  	_ =	shalt  }
0x5d: {  	_ =	shalt  }
0x5e: {  	_ =	shalt  }
0x5f: {  	_ =	shalt  }
0x60: {  	_ =	shalt  }
0x61: {  	_ =	shalt  }
0x62: {  	_ =	shalt  }
0x63: {  	_ =	shalt  }
0x64: {  	_ =	shalt  }
0x65: {  	_ =	shalt  }
0x66: {  	_ =	shalt  }
0x67: {  	_ =	shalt  }
0x68: {  	_ =	shalt  }
0x69: {  	_ =	shalt  }
0x6a: {  	_ =	shalt  }
0x6b: {  	_ =	shalt  }
0x6c: {  	_ =	shalt  }
0x6d: {  	_ =	shalt  }
0x6e: {  	_ =	shalt  }
0x6f: {  	_ =	shalt  }
0x70: {  	_ =	shalt  }
0x71: {  	_ =	shalt  }
0x72: {  	_ =	shalt  }
0x73: {  	_ =	shalt  }
0x74: {  	_ =	shalt  }
0x75: {  	_ =	shalt  }
0x76: {  	_ =	shalt  }
0x77: {  	_ =	shalt  }
0x78: {  	_ =	shalt  }
0x79: {  	_ =	shalt  }
0x7a: {  	_ =	shalt  }
0x7b: {  	_ =	shalt  }
0x7c: {  	_ =	shalt  }
0x7d: {  	_ =	shalt  }
0x7e: {  	_ =	shalt  }
0x7f: {  	_ =	shalt  }
0x80: {  	_ =	shalt  }
0x81: {  	_ =	shalt  }
0x82: {  	_ =	shalt  }
0x83: {  	_ =	shalt  }
0x84: {  	_ =	shalt  }
0x85: {  	_ =	shalt  }
0x86: {  	_ =	shalt  }
0x87: {  	_ =	shalt  }
.Lfunc_end0:
.L_simem_size_0:
called_computation_lowered:
.L_overlay_start_0:
0x88: {  	s2 =	sld [smem:$0x3FD9]  }
0x89: {  	s3 =	sld [smem:$0x3FFE];
	_ =	sdelay $0x1  }
0x8a: {  	s1 =	srdreg.scid  }
0x8b: {  	s0 =	sand.u32 $0x1, s1  }
0x8c: {  	s17 =	sshll.u32 s0, $0xA;
	s2 =	sadd.s32 s3, s2  }
0x8d: {  	s2 =	sadd.s32 s2, s17  }
0x8e: {  	[smem:$0x3FC6] =	sst s2  }
0x8f: {  	_ = 	snop  }
0x90: {  	s2 =	sld [smem:$0x3FC9]  }
0x91: {  	s18 =	sld [smem:$0x3FD0];
	(tm) =	ssettm $0x1  }
0x92: {  	s4 =	sld [smem:$0x3FFB];
	_ =	sdelay $0x3  }
0x93: {  	_ =	strace s4  }
0x94: {  	s4 =	sld [smem:$0x3FFC];
	_ =	sdelay $0x3  }
0x95: {  	_ =	strace s4  }
0x96: {  	s4 =	sld [smem:$0x3FFD];
	_ =	sdelay $0x3  }
0x97: {  	_ =	strace s4  }
0x98: {  	_ =	strace $0x8FFFFFFF  }
0x99: {  	s19 =	sld [smem:$0x3FDB];
	_ =	sdelay $0x1  }
0x9a: {  	s5 =	simm.s32 $_scs_section_size  }
0x9b: {  	s6 =	simm.s32 $_size__tile_overlayer_lowered;
	s7 =	simm.s32 $_tile_overlayer_lowered  }
0x9c: {  	s22 =	simm.s32 $0x1BFF;
	s21 =	sshll.u32 s7, $0x1;
	s4 =	sadd.s32 s5, s19  }
0x9d: {  	s8 =	simm.s32 $0x0;
	s20 =	sshll.u32 s6, $0x1;
	s6 =	sadd.s32 s21, s4  }
0x9e: {  	[timem:s8], [sflag:s22] =	dma.local [hbm:s6], s20  }
0x9f: {  	_ =	swait.ge [sflag:s22], s20  }
0xa0: {  	s5 =	ssub.s32 $0x0, s20;
	[sflag:s22] =	ssyncset.done $0x0  }
0xa1: {  	[sflag:s22] =	ssyncadd.s32 s5;
	_ =	sdelay $0x1  }
0xa2: {  	s23 =	simm.s32 $0x1B8B  }
0xa3: {  	_ =	swait.ge [sflag:s23], $0x1  }
0xa4: {  	[sflag:s23] =	ssyncset.done $0x0  }
0xa5: {  	s25 =	simm.s32 $0x1B8E;
	s24 =	sld [smem:$0x3FFE];
	[sflag:s23] =	ssyncadd.s32 $0xFFFFFFFF  }
0xa6: {  	s26 =	simm.s32 $execute0_lowered;
	[smem:$0x3FD2] =	sst s25  }
0xa7: {  	s6 =	sshll.u32 s26, $0x1;
	_ =	strace $0x80000046;
	[dreg:$0x1] =	wrdreg $0xFFFFFFFF  }
0xa8: {  	s28 =	simm.s32 $_size_execute0_lowered;
	s4 =	sadd.s32 s4, s6;
	[dreg:$0x0] =	wrdreg $0x0  }
0xa9: {  	s6 =	sshll.u32 s28, $0x1;
	[dreg:$0x2] =	wrdreg s4  }
0xaa: {  	[dreg:$0x3] =	wrdreg s6  }
0xab: {  	[dreg:$0x4] =	wrdreg $0xC0  }
0xac: {  	_ =	task [dreg:s8], $0x5FFFF  }
0xad: {  	[dreg:$0x1] =	wrdreg $0xFFFFFFFF  }
0xae: {  	[dreg:$0x0] =	wrdreg $0x60  }
0xaf: {  	[dreg:$0x2] =	wrdreg s2  }
0xb0: {  	[dreg:$0x3] =	wrdreg s24  }
0xb1: {  	[dreg:$0x4] =	wrdreg s18  }
0xb2: {  	[dreg:$0x5] =	wrdreg $0x9  }
0xb3: {  	_ =	task.clear_ibuf [dreg:s8], $0x6FFFF;
	_ =	strace $0x90000046  }
0xb4: {  	s29 =	simm.s32 $0x9;
	_ =	strace $0x80000048  }
0xb5: {  	_ =	swait.ge [sflag:s29], $0x1  }
0xb6: {  	[sflag:s29] =	ssyncadd.s32 $0xFFFFFFFF  }
0xb7: {  	_ =	strace $0x90000048  }
0xb8: {  	_ =	sfence  }
0xb9: {  	s30 =	sld [smem:$0x0];
	_ =	sdelay $0x2  }
0xba: {  	s31 =	sshll.u32 s1, $0xD;
	s1 =	sshrl.u32 s1, $0x2  }
0xbb: {  	s3 =	sand.u32 $0x4000, s31;
	s1 =	sadd.s32 s1, s30  }
0xbc: {  	s0 =	sor.u32 s3, s0;
	s1 =	sshll.u32 s1, $0x11  }
0xbd: {  	s0 =	sor.u32 s1, s0  }
0xbe: {  	s0 =	sadd.s32 $0x8F2B, s0  }
0xbf: {  	[sflag:s0] =	ssyncadd.remote.s32 $0x1  }
0xc0: {  	_ =	sfence.sel $0xFFFF  }
0xc1: {  	[dreg:$0x0] =	wrdreg $0xFFFFFFFF;
	(pc) =	sbr.abs _section_cstart, $3  }
0xc2: {  	[dreg:$0x1] =	wrdreg $0xFFFFFFFF  }
0xc3: {  	_ =	task.clear_ibuf [dreg:s8], $0x2FFFF;
	_ =	strace $0x9FFFFFFF  }
0xc4: {  	(tm) =	ssettm $0x7FFFFFFF  }
0xc5: {  	_ =	shalt  }
tec
execute0_lowered:
.L_overlay_start_1:
0x0: {  	(tag) =	ssettag $0x1  }
0x1: {  	s0 =	rddreg [dreg:$0x0]  }
0x2: {  	s1 =	rddreg [dreg:$0x1]  }
0x3: {  	s2 =	rddreg [dreg:$0x2];
	s4 =	srdreg.scid;
	s3 =	simm.s32 $0x0  }
0x4: {  	s5 =	stileid.u32;
	s11 =	simm.s32 $0x400;
	s12 =	simm.s32 $0x8000  }
0x5: {  	s14 =	simm.s32 $0x7;
	s15 =	simm.s32 $0x80;
	s20 =	simm.s32 $0x1C00  }
0x6: {  	s17 =	simm.s32 $0x4E00;
	s19 =	simm.s32 $0x8E00;
	s28 =	simm.s32 $0x16E00  }
0x7: {  	s29 =	simm.s32 $0x3;
	s30 =	simm.s32 $0x5;
	s6 =	sand.u32 $0x1, s4  }
0x8: {  	s31 =	simm.s32 $0x4;
	s21 =	sshll.u32 s5, $0xB;
	s22 =	sshll.u32 s6, $0xA  }
0x9: {  	[smem:$0x7FF] =	sst s3;
	s5 =	sadd.s32 $0x400, s1;
	s4 =	sor.u32 s22, s21  }
0xa: {  	_ =	strace $0x80000047;
	s23 =	ssub.s32 $0x2, s6;
	s7 =	sshrl.u32 s4, $0x3  }
0xb: {  	v0 =	vlaneseq.u32;
	s8 =	sshrl.u32 s23, $0x1;
	s21 =	simm.s32 $0xCE00;
	s6 =	sadd.s32 s0, s7  }
0xc: {  	v1 =	vmul.u32 $0x80, v0;
	s1 =	ssub.s32 s23, s8;
	s24 =	sadd.s32 s7, s2;
	s25 =	sadd.s32 $0x6000, s6  }
0xd: {  	s23 =	simm.s32 $0x10E00;
	s26 =	sadd.s32 $0x180000, s24;
	[dreg:$0x4] =	wrdreg s25  }
0xe: {  	v2 =	vimm.s32 $0x40;
	v3 =	vor.u32 $0x800, v1;
	s10 =	smax.u32 s1, $0x1;
	s0 =	sadd.s32 $0x188000, s24;
	[dreg:$0x5] =	wrdreg s26  }
0xf: {  	v4 =	vor.u32 $0x1000, v1;
	v5 =	vor.u32 $0x1800, v1;
	v6 =	vor.u32 $0x2000, v1;
	s1 =	simm.s32 $0x0;
	s24 =	simm.s32 $0x1;
	[dreg:$0x6] =	wrdreg s0  }
0x10: {  	v7 =	vor.u32 $0x2800, v1;
	v8 =	vor.u32 $0x3000, v1;
	v9 =	vor.u32 $0x3800, v1;
	s25 =	simm.s32 $0x14E00;
	s26 =	simm.s32 $0x2;
	s0 =	simm.s32 $0x6  }
.LBB2_1:
0x11: {  	[tilespmem:s3], [sflag:$0x7] =	stream.strided.gather [hbm4b:s6+s11], $0x1800, s12, s11, $0x38;
	[tilespmem:$0x18E00] =	vst v63  }
0x12: {  	s7 =	simm.s32 $0x0  }
0x13: {  	s8 =	sand.u32 $0x70, s3;
	s7 =	sand.u32 $0xFFFFFF80, s7  }
0x14: {  	s7 =	sor.u32 s8, s7  }
0x15: {  	s13 =	rddreg [dreg:$0x4];
	s16 =	simm.s32 $0x1800;
	v10 =	vor.u32 s7, v0  }
0x16: {  	[tilespmem:s16], [sflag:$0x7] =	stream.linear.gather [hbm4b:s13+s3], $0x100, $0x38;
	[tilespmem:$0x18E00] =	vst v63  }
0x17: {  	_ =	swait.ge [sflag:s14], $0x1900  }
0x18: {  	[sflag:s14] =	ssyncset.done $0x0  }
0x19: {  	[sflag:s14] =	ssyncadd.s32 $0xFFFFE700  }
0x1a: {  	v10 =	vld.idx.msk [tilespmem:v10+s3+$0x0], $0xffff  }
0x1b: {  	s18 =	simm.s32 $0x10;
	s22 =	simm.s32 $0x10  }
0x1c: {  	s8 =	sand.u32 $0x70, s22;
	s7 =	sand.u32 $0xFFFFFF80, s18  }
0x1d: {  	s7 =	sor.u32 s8, s7  }
0x1e: {  	v11 =	vor.u32 s7, v0  }
0x1f: {  	vm0 =	vlt.s32 v10, $0x7A000;
	v12 =	vadd.s32 $0xFFF86000, v10  }
0x20: {  	v10 =	vsel vm0, v10, v12  }
0x21: {  	s7 =	simm.s32 $0x3500;
	v63 =	vsel vm0, $0x0, v2;
	[tilespmem:s20+$0x0] =	vst v10  }
0x22: {  	[tilespmem:s7+$0x0] =	vst v63  }
0x23: {  	v10 =	vld.idx.msk [tilespmem:v11+s3+$0x0], $0xffff  }
0x24: {  	s9 =	simm.s32 $0x20;
	s13 =	simm.s32 $0x3;
	s8 =	simm.s32 $0x20  }
0x25: {  	s18 =	sand.u32 $0xFFFFFF80, s9;
	s9 =	simm.s32 $0x1C00;
	s16 =	sand.u32 $0x70, s8  }
.LBB2_2:
0x26: {  	p0 =	sne.s32 s13, $0x18F;
	s16 =	sor.u32 s16, s18  }
0x27: {  	v11 =	vor.u32 s16, v0  }
0x28: {  	vm0 =	vlt.s32 v10, $0x7A000;
	v12 =	vadd.s32 $0xFFF86000, v10  }
0x29: {  	s9 =	sadd.s32 $0x10, s9;
	v10 =	vsel vm0, v10, v12;
	v12 =	vsel vm0, $0x0, v2  }
0x2a: {  	s7 =	sadd.s32 $0x10, s7;
	[tilespmem:s9+$0x0] =	vst v10  }
.Ltmp0:
0x2b: {  	[tilespmem:s7+$0x0] =	vst v12;
	(pc) =	sbr.rel @p0 .LBB2_2-.Ltmp0, $3  }
0x2c: {  	v10 =	vld.idx.msk [tilespmem:v11+s3+$0x0], $0xffff;
	_ =	sdelay $0x1  }
0x2d: {  	s18 =	sshll.u32 s13, $0x4;
	s8 =	sadd.s32 $0x10, s8  }
0x2e: {  	s13 =	sadd.s32 $0x1, s13;
	s16 =	sand.u32 $0x70, s8;
	s18 =	sand.u32 $0xFFFFFF80, s18  }
0x2f: {  	s8 =	sor.u32 s16, s18  }
0x30: {  	v11 =	vor.u32 s8, v0  }
0x31: {  	vm0 =	vlt.s32 v10, $0x7A000;
	v12 =	vadd.s32 $0xFFF86000, v10  }
0x32: {  	s16 =	sadd.s32 $0x10, s9;
	v10 =	vsel vm0, v10, v12  }
0x33: {  	s7 =	sadd.s32 $0x10, s7;
	v63 =	vsel vm0, $0x0, v2;
	[tilespmem:s16+$0x0] =	vst v10  }
0x34: {  	[tilespmem:s7+$0x0] =	vst v63  }
0x35: {  	v10 =	vld.idx.msk [tilespmem:v11+s3+$0x0], $0xffff;
	_ =	sdelay $0x4  }
0x36: {  	vm15 =	vlt.s32 v10, $0x7A000;
	v11 =	vadd.s32 $0xFFF86000, v10  }
0x37: {  	s8 =	sadd.s32 $0x10, s16;
	v10 =	vsel vm15, v10, v11  }
0x38: {  	s7 =	sadd.s32 $0x10, s7;
	v11 =	vsel vm15, $0x0, v2;
	[tilespmem:s8+$0x0] =	vst v10  }
0x39: {  	[tilespmem:s7+$0x0] =	vst v11  }
0x3a: {  	[tilespmem:s17], [sflag:$0x1] =	stream.indirect.gather [hbm4b:s5+s15], $0x80, s20, s15, $0xb8;
	[tilespmem:$0x18E00] =	vst v63  }
0x3b: {  	s18 =	simm.s32 $0x1C80  }
0x3c: {  	[tilespmem:s19], [sflag:$0x2] =	stream.indirect.gather [hbm4b:s5+s15], $0x80, s18, s15, $0xb8;
	[tilespmem:$0x18E00] =	vst v63  }
0x3d: {  	s20 =	simm.s32 $0x1D00  }
0x3e: {  	[tilespmem:s21], [sflag:$0x3] =	stream.indirect.gather [hbm4b:s5+s15], $0x80, s20, s15, $0xb8;
	[tilespmem:$0x18E00] =	vst v63  }
0x3f: {  	s22 =	simm.s32 $0x1D80;
	s13 =	simm.s32 $0x0;
	s18 =	simm.s32 $0x0  }
0x40: {  	[tilespmem:s23], [sflag:$0x4] =	stream.indirect.gather [hbm4b:s5+s15], $0x80, s22, s15, $0xb8;
	[tilespmem:$0x18E00] =	vst v63  }
.LBB2_4:
0x41: {  	_ =	swait.ge [sflag:s24], $0x4000  }
0x42: {  	p0 =	seq.s32 s18, $0x0;
	[sflag:s24] =	ssyncset.done $0x0  }
0x43: {  	s7 =	simm.s32 @!p0 $0x5;
	[sflag:s24] =	ssyncadd.s32 $0xFFFFC000  }
0x44: {  	_ =	swait.ge @!p0 [sflag:s7], $0x2000  }
0x45: {  	s8 =	sshll.u32 s18, $0xB;
	[sflag:s7] =	ssyncset.done @!p0 $0x0  }
0x46: {  	s20 =	sshrl.u32 s8, $0x2;
	[sflag:s7] =	ssyncadd.s32 @!p0 $0xFFFFE000  }
0x47: {  	v15 =	vld [tilespmem:s20+$0x3500]  }
0x48: {  	v17 =	vld [tilespmem:s20+$0x3570]  }
0x49: {  	v16 =	vld [tilespmem:s20+$0x3510]  }
0x4a: {  	v14 =	vld [tilespmem:s20+$0x3520]  }
0x4b: {  	v13 =	vld [tilespmem:s20+$0x3530]  }
0x4c: {  	v12 =	vld [tilespmem:s20+$0x3540];
	v11 =	vadd.s32 s13, v15  }
0x4d: {  	v10 =	vld [tilespmem:s20+$0x3550];
	v19 =	vadd.s32 s13, v17;
	v18 =	vadd.s32 v1, v11  }
0x4e: {  	v20 =	vadd.s32 s13, v16;
	v11 =	vld [tilespmem:s20+$0x3560];
	v19 =	vadd.s32 v9, v19  }
0x4f: {  	v21 =	vadd.s32 s13, v14;
	v20 =	vadd.s32 v3, v20  }
0x50: {  	v22 =	vadd.s32 s13, v13;
	v21 =	vadd.s32 v4, v21  }
0x51: {  	v23 =	vadd.s32 s13, v12;
	v22 =	vadd.s32 v5, v22  }
0x52: {  	v24 =	vld.idx.msk [tilespmem:v18+s17+$0x0], $0xffff;
	v18 =	vadd.s32 v6, v23;
	v23 =	vadd.s32 s13, v10  }
0x53: {  	v25 =	vadd.s32 s13, v11;
	v26 =	vld.idx.msk [tilespmem:v19+s17+$0x0], $0xffff;
	v23 =	vadd.s32 v7, v23  }
0x54: {  	v27 =	vld.idx.msk [tilespmem:v20+s17+$0x0], $0xffff;
	v25 =	vadd.s32 v8, v25  }
0x55: {  	v28 =	vld.idx.msk [tilespmem:v21+s17+$0x0], $0xffff  }
0x56: {  	v21 =	vld.idx.msk [tilespmem:v22+s17+$0x0], $0xffff  }
0x57: {  	v20 =	vld.idx.msk [tilespmem:v18+s17+$0x0], $0xffff  }
0x58: {  	s16 =	simm.s32 $0x14E40;
	v19 =	vld.idx.msk [tilespmem:v23+s17+$0x0], $0xffff  }
0x59: {  	v18 =	vld.idx.msk [tilespmem:v25+s17+$0x0], $0xffff;
	[tilespmem:s16+$0x30] =	vst v26  }
0x5a: {  	s7 =	simm.s32 $0x1;
	[tilespmem:s16+$0xFFFFFFC0] =	vst v24  }
0x5b: {  	v22 =	vadd.s32 s7, v15;
	[tilespmem:s16+$0xFFFFFFD0] =	vst v27  }
0x5c: {  	s22 =	sshll.u32 s18, $0x2;
	s8 =	simm.s32 $0x2;
	v22 =	vadd.s32 v1, v22;
	v23 =	vadd.s32 s7, v17;
	[tilespmem:s16+$0xFFFFFFE0] =	vst v28  }
.LBB2_5:
0x5d: {  	p1 =	sne.s32 s8, $0x3F;
	v24 =	vadd.s32 s7, v16;
	v23 =	vadd.s32 v9, v23;
	[tilespmem:s16+$0xFFFFFFF0] =	vst v21  }
0x5e: {  	v21 =	vadd.s32 v3, v24;
	v24 =	vadd.s32 s7, v14;
	[tilespmem:s16+$0x0] =	vst v20  }
0x5f: {  	v20 =	vadd.s32 v4, v24;
	v24 =	vadd.s32 s7, v13;
	[tilespmem:s16+$0x10] =	vst v19  }
0x60: {  	v19 =	vadd.s32 v5, v24;
	v24 =	vadd.s32 s7, v12;
	[tilespmem:s16+$0x20] =	vst v18  }
0x61: {  	v22 =	vld.idx.msk [tilespmem:v22+s17+$0x0], $0xffff;
	v18 =	vadd.s32 v6, v24;
	v24 =	vadd.s32 s7, v10  }
0x62: {  	v25 =	vadd.s32 s7, v11;
	s7 =	smov.u32 s8;
	v24 =	vadd.s32 v7, v24;
	v23 =	vld.idx.msk [tilespmem:v23+s17+$0x0], $0xffff  }
0x63: {  	v25 =	vadd.s32 v8, v25;
	v26 =	vld.idx.msk [tilespmem:v21+s17+$0x0], $0xffff  }
0x64: {  	v27 =	vld.idx.msk [tilespmem:v20+s17+$0x0], $0xffff  }
0x65: {  	v21 =	vld.idx.msk [tilespmem:v19+s17+$0x0], $0xffff  }
0x66: {  	v20 =	vld.idx.msk [tilespmem:v18+s17+$0x0], $0xffff  }
.Ltmp1:
0x67: {  	s16 =	sadd.s32 $0x80, s16;
	v19 =	vld.idx.msk [tilespmem:v24+s17+$0x0], $0xffff;
	(pc) =	sbr.rel @p1 .LBB2_5-.Ltmp1, $4  }
0x68: {  	v18 =	vld.idx.msk [tilespmem:v25+s17+$0x0], $0xffff;
	[tilespmem:s16+$0x30] =	vst v23  }
0x69: {  	[tilespmem:s16+$0xFFFFFFC0] =	vst v22  }
0x6a: {  	v22 =	vadd.s32 s8, v15;
	[tilespmem:s16+$0xFFFFFFD0] =	vst v26  }
0x6b: {  	v23 =	vadd.s32 s7, v17;
	s8 =	sadd.s32 $0x1, s8;
	v22 =	vadd.s32 v1, v22;
	[tilespmem:s16+$0xFFFFFFE0] =	vst v27  }
0x6c: {  	v15 =	vadd.s32 s7, v16;
	v16 =	vadd.s32 v9, v23;
	[tilespmem:s16+$0xFFFFFFF0] =	vst v21  }
0x6d: {  	v14 =	vadd.s32 s7, v14;
	[tilespmem:s16+$0x0] =	vst v20;
	v15 =	vadd.s32 v3, v15  }
0x6e: {  	v13 =	vadd.s32 s7, v13;
	[tilespmem:s16+$0x10] =	vst v19;
	v14 =	vadd.s32 v4, v14  }
0x6f: {  	v12 =	vadd.s32 s7, v12;
	v13 =	vadd.s32 v5, v13;
	[tilespmem:s16+$0x20] =	vst v18  }
0x70: {  	v10 =	vadd.s32 s7, v10;
	v12 =	vadd.s32 v6, v12;
	v17 =	vld.idx.msk [tilespmem:v22+s17+$0x0], $0xffff  }
0x71: {  	v11 =	vadd.s32 s7, v11;
	v10 =	vadd.s32 v7, v10;
	v16 =	vld.idx.msk [tilespmem:v16+s17+$0x0], $0xffff  }
0x72: {  	v11 =	vadd.s32 v8, v11;
	v15 =	vld.idx.msk [tilespmem:v15+s17+$0x0], $0xffff  }
0x73: {  	v14 =	vld.idx.msk [tilespmem:v14+s17+$0x0], $0xffff  }
0x74: {  	v13 =	vld.idx.msk [tilespmem:v13+s17+$0x0], $0xffff  }
0x75: {  	v12 =	vld.idx.msk [tilespmem:v12+s17+$0x0], $0xffff  }
0x76: {  	s9 =	sadd.s32 $0x80, s16;
	v10 =	vld.idx.msk [tilespmem:v10+s17+$0x0], $0xffff  }
0x77: {  	v11 =	vld.idx.msk [tilespmem:v11+s17+$0x0], $0xffff;
	[tilespmem:s9+$0xFFFFFFC0] =	vst v17  }
0x78: {  	[tilespmem:s9+$0x30] =	vst v16  }
0x79: {  	[tilespmem:s9+$0xFFFFFFD0] =	vst v15  }
0x7a: {  	[tilespmem:s9+$0xFFFFFFE0] =	vst v14  }
0x7b: {  	s8 =	sshll.u32 s18, $0x14;
	[tilespmem:s9+$0xFFFFFFF0] =	vst v13  }
0x7c: {  	s8 =	sor.u32 s4, s8;
	[tilespmem:s9+$0x0] =	vst v12  }
0x7d: {  	s8 =	sshrl.u32 s8, $0x3;
	[tilespmem:s9+$0x10] =	vst v10  }
0x7e: {  	s16 =	sadd.s32 s2, s8;
	[tilespmem:s9+$0x20] =	vst v11  }
0x7f: {  	[hbm4b:s16+s11] =	stream.strided.scatter [tilespmem:s25], [sflag:$0x5], $0x2000, s12, s11, $0x38;
	[tilespmem:$0x18E00] =	vst v63  }
0x80: {  	s8 =	sadd.s32 $0x1E00, s20  }
0x81: {  	[tilespmem:s17], [sflag:$0x1] =	stream.indirect.gather [hbm4b:s5+s15], $0x80, s8, s15, $0xb8;
	[tilespmem:$0x18E00] =	vst v63  }
0x82: {  	_ =	swait.ge [sflag:s26], $0x4000  }
0x83: {  	[sflag:s26] =	ssyncset.done $0x0  }
0x84: {  	s7 =	simm.s32 @!p0 $0x6;
	[sflag:s26] =	ssyncadd.s32 $0xFFFFC000  }
0x85: {  	s16 =	sor.u32 $0x1, s22;
	_ =	swait.ge @!p0 [sflag:s7], $0x2000  }
0x86: {  	s9 =	sshll.u32 s16, $0x7;
	[sflag:s7] =	ssyncset.done @!p0 $0x0  }
0x87: {  	s8 =	sand.u32 $0x3FFFFF80, s9;
	[sflag:s7] =	ssyncadd.s32 @!p0 $0xFFFFE000  }
0x88: {  	v15 =	vld [tilespmem:s8+$0x3500]  }
0x89: {  	v17 =	vld [tilespmem:s8+$0x3570]  }
0x8a: {  	v16 =	vld [tilespmem:s8+$0x3510]  }
0x8b: {  	v14 =	vld [tilespmem:s8+$0x3520]  }
0x8c: {  	s9 =	simm.s32 $0x0;
	v13 =	vld [tilespmem:s8+$0x3530]  }
0x8d: {  	v12 =	vld [tilespmem:s8+$0x3540];
	v11 =	vadd.s32 s9, v15  }
0x8e: {  	v10 =	vld [tilespmem:s8+$0x3550];
	v19 =	vadd.s32 s9, v17;
	v18 =	vadd.s32 v1, v11  }
0x8f: {  	v20 =	vadd.s32 s9, v16;
	v11 =	vld [tilespmem:s8+$0x3560];
	v19 =	vadd.s32 v9, v19  }
0x90: {  	v21 =	vadd.s32 s9, v14;
	v20 =	vadd.s32 v3, v20  }
0x91: {  	v22 =	vadd.s32 s9, v13;
	v21 =	vadd.s32 v4, v21  }
0x92: {  	v23 =	vadd.s32 s9, v12;
	v22 =	vadd.s32 v5, v22  }
0x93: {  	v24 =	vld.idx.msk [tilespmem:v18+s19+$0x0], $0xffff;
	v18 =	vadd.s32 v6, v23;
	v23 =	vadd.s32 s9, v10  }
0x94: {  	v25 =	vadd.s32 s9, v11;
	v26 =	vld.idx.msk [tilespmem:v19+s19+$0x0], $0xffff;
	v23 =	vadd.s32 v7, v23  }
0x95: {  	v27 =	vld.idx.msk [tilespmem:v20+s19+$0x0], $0xffff;
	v25 =	vadd.s32 v8, v25  }
0x96: {  	v28 =	vld.idx.msk [tilespmem:v21+s19+$0x0], $0xffff  }
0x97: {  	v21 =	vld.idx.msk [tilespmem:v22+s19+$0x0], $0xffff  }
0x98: {  	v20 =	vld.idx.msk [tilespmem:v18+s19+$0x0], $0xffff  }
0x99: {  	s7 =	simm.s32 $0x16E40;
	v19 =	vld.idx.msk [tilespmem:v23+s19+$0x0], $0xffff  }
0x9a: {  	v18 =	vld.idx.msk [tilespmem:v25+s19+$0x0], $0xffff;
	[tilespmem:s7+$0x30] =	vst v26  }
0x9b: {  	s8 =	simm.s32 $0x1;
	[tilespmem:s7+$0xFFFFFFC0] =	vst v24  }
0x9c: {  	v22 =	vadd.s32 s8, v15;
	[tilespmem:s7+$0xFFFFFFD0] =	vst v27  }
0x9d: {  	s9 =	simm.s32 $0x2;
	v22 =	vadd.s32 v1, v22;
	v23 =	vadd.s32 s8, v17;
	[tilespmem:s7+$0xFFFFFFE0] =	vst v28  }
.LBB2_7:
0x9e: {  	p0 =	sne.s32 s9, $0x3F;
	v24 =	vadd.s32 s8, v16;
	v23 =	vadd.s32 v9, v23;
	[tilespmem:s7+$0xFFFFFFF0] =	vst v21  }
0x9f: {  	v21 =	vadd.s32 v3, v24;
	v24 =	vadd.s32 s8, v14;
	[tilespmem:s7+$0x0] =	vst v20  }
0xa0: {  	v20 =	vadd.s32 v4, v24;
	v24 =	vadd.s32 s8, v13;
	[tilespmem:s7+$0x10] =	vst v19  }
0xa1: {  	v19 =	vadd.s32 v5, v24;
	v24 =	vadd.s32 s8, v12;
	[tilespmem:s7+$0x20] =	vst v18  }
0xa2: {  	v22 =	vld.idx.msk [tilespmem:v22+s19+$0x0], $0xffff;
	v18 =	vadd.s32 v6, v24;
	v24 =	vadd.s32 s8, v10  }
0xa3: {  	v25 =	vadd.s32 s8, v11;
	s8 =	smov.u32 s9;
	v24 =	vadd.s32 v7, v24;
	v23 =	vld.idx.msk [tilespmem:v23+s19+$0x0], $0xffff  }
0xa4: {  	v25 =	vadd.s32 v8, v25;
	v26 =	vld.idx.msk [tilespmem:v21+s19+$0x0], $0xffff  }
0xa5: {  	v27 =	vld.idx.msk [tilespmem:v20+s19+$0x0], $0xffff  }
0xa6: {  	v21 =	vld.idx.msk [tilespmem:v19+s19+$0x0], $0xffff  }
0xa7: {  	v20 =	vld.idx.msk [tilespmem:v18+s19+$0x0], $0xffff  }
.Ltmp2:
0xa8: {  	s7 =	sadd.s32 $0x80, s7;
	v19 =	vld.idx.msk [tilespmem:v24+s19+$0x0], $0xffff;
	(pc) =	sbr.rel @p0 .LBB2_7-.Ltmp2, $4  }
0xa9: {  	v18 =	vld.idx.msk [tilespmem:v25+s19+$0x0], $0xffff;
	[tilespmem:s7+$0x30] =	vst v23  }
0xaa: {  	[tilespmem:s7+$0xFFFFFFC0] =	vst v22  }
0xab: {  	v22 =	vadd.s32 s9, v15;
	[tilespmem:s7+$0xFFFFFFD0] =	vst v26  }
0xac: {  	v23 =	vadd.s32 s8, v17;
	s9 =	sadd.s32 $0x1, s9;
	v22 =	vadd.s32 v1, v22;
	[tilespmem:s7+$0xFFFFFFE0] =	vst v27  }
0xad: {  	v15 =	vadd.s32 s8, v16;
	v16 =	vadd.s32 v9, v23;
	[tilespmem:s7+$0xFFFFFFF0] =	vst v21  }
0xae: {  	v14 =	vadd.s32 s8, v14;
	[tilespmem:s7+$0x0] =	vst v20;
	v15 =	vadd.s32 v3, v15  }
0xaf: {  	v13 =	vadd.s32 s8, v13;
	[tilespmem:s7+$0x10] =	vst v19;
	v14 =	vadd.s32 v4, v14  }
0xb0: {  	v12 =	vadd.s32 s8, v12;
	v13 =	vadd.s32 v5, v13;
	[tilespmem:s7+$0x20] =	vst v18  }
0xb1: {  	v10 =	vadd.s32 s8, v10;
	v12 =	vadd.s32 v6, v12;
	v17 =	vld.idx.msk [tilespmem:v22+s19+$0x0], $0xffff  }
0xb2: {  	v11 =	vadd.s32 s8, v11;
	v10 =	vadd.s32 v7, v10;
	v16 =	vld.idx.msk [tilespmem:v16+s19+$0x0], $0xffff  }
0xb3: {  	v11 =	vadd.s32 v8, v11;
	v15 =	vld.idx.msk [tilespmem:v15+s19+$0x0], $0xffff  }
0xb4: {  	v14 =	vld.idx.msk [tilespmem:v14+s19+$0x0], $0xffff  }
0xb5: {  	v13 =	vld.idx.msk [tilespmem:v13+s19+$0x0], $0xffff  }
0xb6: {  	v12 =	vld.idx.msk [tilespmem:v12+s19+$0x0], $0xffff  }
0xb7: {  	s9 =	sadd.s32 $0x80, s7;
	v10 =	vld.idx.msk [tilespmem:v10+s19+$0x0], $0xffff  }
0xb8: {  	v11 =	vld.idx.msk [tilespmem:v11+s19+$0x0], $0xffff;
	[tilespmem:s9+$0xFFFFFFC0] =	vst v17  }
0xb9: {  	[tilespmem:s9+$0x30] =	vst v16  }
0xba: {  	[tilespmem:s9+$0xFFFFFFD0] =	vst v15  }
0xbb: {  	[tilespmem:s9+$0xFFFFFFE0] =	vst v14  }
0xbc: {  	s16 =	sshll.u32 s16, $0x12;
	[tilespmem:s9+$0xFFFFFFF0] =	vst v13  }
0xbd: {  	s8 =	sor.u32 s4, s16;
	[tilespmem:s9+$0x0] =	vst v12  }
0xbe: {  	s8 =	sshrl.u32 s8, $0x3;
	[tilespmem:s9+$0x10] =	vst v10  }
0xbf: {  	[tilespmem:s9+$0x20] =	vst v11;
	s9 =	sadd.s32 s2, s8  }
0xc0: {  	[hbm4b:s9+s11] =	stream.strided.scatter [tilespmem:s28], [sflag:$0x6], $0x2000, s12, s11, $0x38;
	[tilespmem:$0x18E00] =	vst v63  }
0xc1: {  	s16 =	sadd.s32 $0x1E80, s20  }
0xc2: {  	[tilespmem:s19], [sflag:$0x2] =	stream.indirect.gather [hbm4b:s5+s15], $0x80, s16, s15, $0xb8;
	[tilespmem:$0x18E00] =	vst v63  }
0xc3: {  	_ =	swait.ge [sflag:s29], $0x4000  }
0xc4: {  	[sflag:s29] =	ssyncset.done $0x0  }
0xc5: {  	[sflag:s29] =	ssyncadd.s32 $0xFFFFC000  }
0xc6: {  	s16 =	sor.u32 $0x2, s22;
	_ =	swait.ge [sflag:s30], $0x2000  }
0xc7: {  	s8 =	sshll.u32 s16, $0x7;
	[sflag:s30] =	ssyncset.done $0x0  }
0xc8: {  	s7 =	sand.u32 $0x3FFFFF80, s8;
	[sflag:s30] =	ssyncadd.s32 $0xFFFFE000  }
0xc9: {  	v15 =	vld [tilespmem:s7+$0x3500]  }
0xca: {  	v17 =	vld [tilespmem:s7+$0x3570]  }
0xcb: {  	v16 =	vld [tilespmem:s7+$0x3510]  }
0xcc: {  	v14 =	vld [tilespmem:s7+$0x3520]  }
0xcd: {  	s9 =	simm.s32 $0x0;
	v13 =	vld [tilespmem:s7+$0x3530]  }
0xce: {  	v12 =	vld [tilespmem:s7+$0x3540];
	v11 =	vadd.s32 s9, v15  }
0xcf: {  	v10 =	vld [tilespmem:s7+$0x3550];
	v19 =	vadd.s32 s9, v17;
	v18 =	vadd.s32 v1, v11  }
0xd0: {  	v20 =	vadd.s32 s9, v16;
	v11 =	vld [tilespmem:s7+$0x3560];
	v19 =	vadd.s32 v9, v19  }
0xd1: {  	v21 =	vadd.s32 s9, v14;
	v20 =	vadd.s32 v3, v20  }
0xd2: {  	v22 =	vadd.s32 s9, v13;
	v21 =	vadd.s32 v4, v21  }
0xd3: {  	v23 =	vadd.s32 s9, v12;
	v22 =	vadd.s32 v5, v22  }
0xd4: {  	v24 =	vld.idx.msk [tilespmem:v18+s21+$0x0], $0xffff;
	v18 =	vadd.s32 v6, v23;
	v23 =	vadd.s32 s9, v10  }
0xd5: {  	v25 =	vadd.s32 s9, v11;
	v26 =	vld.idx.msk [tilespmem:v19+s21+$0x0], $0xffff;
	v23 =	vadd.s32 v7, v23  }
0xd6: {  	v27 =	vld.idx.msk [tilespmem:v20+s21+$0x0], $0xffff;
	v25 =	vadd.s32 v8, v25  }
0xd7: {  	v28 =	vld.idx.msk [tilespmem:v21+s21+$0x0], $0xffff  }
0xd8: {  	v21 =	vld.idx.msk [tilespmem:v22+s21+$0x0], $0xffff  }
0xd9: {  	v20 =	vld.idx.msk [tilespmem:v18+s21+$0x0], $0xffff  }
0xda: {  	s7 =	simm.s32 $0x14E40;
	v19 =	vld.idx.msk [tilespmem:v23+s21+$0x0], $0xffff  }
0xdb: {  	v18 =	vld.idx.msk [tilespmem:v25+s21+$0x0], $0xffff;
	[tilespmem:s7+$0x30] =	vst v26  }
0xdc: {  	s8 =	simm.s32 $0x1;
	[tilespmem:s7+$0xFFFFFFC0] =	vst v24  }
0xdd: {  	v22 =	vadd.s32 s8, v15;
	[tilespmem:s7+$0xFFFFFFD0] =	vst v27  }
0xde: {  	s9 =	simm.s32 $0x2;
	v22 =	vadd.s32 v1, v22;
	v23 =	vadd.s32 s8, v17;
	[tilespmem:s7+$0xFFFFFFE0] =	vst v28  }
.LBB2_9:
0xdf: {  	p0 =	sne.s32 s9, $0x3F;
	v24 =	vadd.s32 s8, v16;
	v23 =	vadd.s32 v9, v23;
	[tilespmem:s7+$0xFFFFFFF0] =	vst v21  }
0xe0: {  	v21 =	vadd.s32 v3, v24;
	v24 =	vadd.s32 s8, v14;
	[tilespmem:s7+$0x0] =	vst v20  }
0xe1: {  	v20 =	vadd.s32 v4, v24;
	v24 =	vadd.s32 s8, v13;
	[tilespmem:s7+$0x10] =	vst v19  }
0xe2: {  	v19 =	vadd.s32 v5, v24;
	v24 =	vadd.s32 s8, v12;
	[tilespmem:s7+$0x20] =	vst v18  }
0xe3: {  	v22 =	vld.idx.msk [tilespmem:v22+s21+$0x0], $0xffff;
	v18 =	vadd.s32 v6, v24;
	v24 =	vadd.s32 s8, v10  }
0xe4: {  	v25 =	vadd.s32 s8, v11;
	s8 =	smov.u32 s9;
	v24 =	vadd.s32 v7, v24;
	v23 =	vld.idx.msk [tilespmem:v23+s21+$0x0], $0xffff  }
0xe5: {  	v25 =	vadd.s32 v8, v25;
	v26 =	vld.idx.msk [tilespmem:v21+s21+$0x0], $0xffff  }
0xe6: {  	v27 =	vld.idx.msk [tilespmem:v20+s21+$0x0], $0xffff  }
0xe7: {  	v21 =	vld.idx.msk [tilespmem:v19+s21+$0x0], $0xffff  }
0xe8: {  	v20 =	vld.idx.msk [tilespmem:v18+s21+$0x0], $0xffff  }
.Ltmp3:
0xe9: {  	s7 =	sadd.s32 $0x80, s7;
	v19 =	vld.idx.msk [tilespmem:v24+s21+$0x0], $0xffff;
	(pc) =	sbr.rel @p0 .LBB2_9-.Ltmp3, $4  }
0xea: {  	v18 =	vld.idx.msk [tilespmem:v25+s21+$0x0], $0xffff;
	[tilespmem:s7+$0x30] =	vst v23  }
0xeb: {  	[tilespmem:s7+$0xFFFFFFC0] =	vst v22  }
0xec: {  	v22 =	vadd.s32 s9, v15;
	[tilespmem:s7+$0xFFFFFFD0] =	vst v26  }
0xed: {  	v23 =	vadd.s32 s8, v17;
	s9 =	sadd.s32 $0x1, s9;
	v22 =	vadd.s32 v1, v22;
	[tilespmem:s7+$0xFFFFFFE0] =	vst v27  }
0xee: {  	v15 =	vadd.s32 s8, v16;
	v16 =	vadd.s32 v9, v23;
	[tilespmem:s7+$0xFFFFFFF0] =	vst v21  }
0xef: {  	v14 =	vadd.s32 s8, v14;
	[tilespmem:s7+$0x0] =	vst v20;
	v15 =	vadd.s32 v3, v15  }
0xf0: {  	v13 =	vadd.s32 s8, v13;
	[tilespmem:s7+$0x10] =	vst v19;
	v14 =	vadd.s32 v4, v14  }
0xf1: {  	v12 =	vadd.s32 s8, v12;
	v13 =	vadd.s32 v5, v13;
	[tilespmem:s7+$0x20] =	vst v18  }
0xf2: {  	v10 =	vadd.s32 s8, v10;
	v12 =	vadd.s32 v6, v12;
	v17 =	vld.idx.msk [tilespmem:v22+s21+$0x0], $0xffff  }
0xf3: {  	v11 =	vadd.s32 s8, v11;
	v10 =	vadd.s32 v7, v10;
	v16 =	vld.idx.msk [tilespmem:v16+s21+$0x0], $0xffff  }
0xf4: {  	v11 =	vadd.s32 v8, v11;
	v15 =	vld.idx.msk [tilespmem:v15+s21+$0x0], $0xffff  }
0xf5: {  	v14 =	vld.idx.msk [tilespmem:v14+s21+$0x0], $0xffff  }
0xf6: {  	v13 =	vld.idx.msk [tilespmem:v13+s21+$0x0], $0xffff  }
0xf7: {  	v12 =	vld.idx.msk [tilespmem:v12+s21+$0x0], $0xffff  }
0xf8: {  	s9 =	sadd.s32 $0x80, s7;
	v10 =	vld.idx.msk [tilespmem:v10+s21+$0x0], $0xffff  }
0xf9: {  	v11 =	vld.idx.msk [tilespmem:v11+s21+$0x0], $0xffff;
	[tilespmem:s9+$0xFFFFFFC0] =	vst v17  }
0xfa: {  	[tilespmem:s9+$0x30] =	vst v16  }
0xfb: {  	[tilespmem:s9+$0xFFFFFFD0] =	vst v15  }
0xfc: {  	[tilespmem:s9+$0xFFFFFFE0] =	vst v14  }
0xfd: {  	s16 =	sshll.u32 s16, $0x12;
	[tilespmem:s9+$0xFFFFFFF0] =	vst v13  }
0xfe: {  	s8 =	sor.u32 s4, s16;
	[tilespmem:s9+$0x0] =	vst v12  }
0xff: {  	s8 =	sshrl.u32 s8, $0x3;
	[tilespmem:s9+$0x10] =	vst v10  }
0x100: {  	p0 =	seq.s32 s18, $0xB;
	s8 =	sadd.s32 s2, s8;
	[tilespmem:s9+$0x20] =	vst v11  }
0x101: {  	[hbm4b:s8+s11] =	stream.strided.scatter [tilespmem:s25], [sflag:$0x5], $0x2000, s12, s11, $0x38;
	[tilespmem:$0x18E00] =	vst v63  }
0x102: {  	s7 =	sadd.s32 @!p0 $0x1F00, s20;
	s9 =	simm.s32 @!p0 $0xCE00;
	s8 =	simm.s32 @!p0 $0x80  }
0x103: {  	[tilespmem:s9], [sflag:$0x3] =	stream.indirect.gather @!p0 [hbm4b:s5+s8], $0x80, s7, s8, $0xb8;
	[tilespmem:$0x18E00] =	vst v63  }
0x104: {  	_ =	swait.ge [sflag:s31], $0x4000  }
0x105: {  	[sflag:s31] =	ssyncset.done $0x0  }
0x106: {  	[sflag:s31] =	ssyncadd.s32 $0xFFFFC000  }
0x107: {  	s16 =	sor.u32 $0x3, s22;
	_ =	swait.ge [sflag:s0], $0x2000  }
0x108: {  	s9 =	sshll.u32 s16, $0x7;
	[sflag:s0] =	ssyncset.done $0x0  }
0x109: {  	s7 =	sand.u32 $0x3FFFFF80, s9;
	[sflag:s0] =	ssyncadd.s32 $0xFFFFE000  }
0x10a: {  	v15 =	vld [tilespmem:s7+$0x3500]  }
0x10b: {  	v17 =	vld [tilespmem:s7+$0x3570]  }
0x10c: {  	v16 =	vld [tilespmem:s7+$0x3510]  }
0x10d: {  	v14 =	vld [tilespmem:s7+$0x3520]  }
0x10e: {  	s22 =	simm.s32 $0x0;
	v13 =	vld [tilespmem:s7+$0x3530]  }
0x10f: {  	v12 =	vld [tilespmem:s7+$0x3540];
	v11 =	vadd.s32 s22, v15  }
0x110: {  	v10 =	vld [tilespmem:s7+$0x3550];
	v19 =	vadd.s32 s22, v17;
	v18 =	vadd.s32 v1, v11  }
0x111: {  	v20 =	vadd.s32 s22, v16;
	v11 =	vld [tilespmem:s7+$0x3560];
	v19 =	vadd.s32 v9, v19  }
0x112: {  	v21 =	vadd.s32 s22, v14;
	v20 =	vadd.s32 v3, v20  }
0x113: {  	v22 =	vadd.s32 s22, v13;
	v21 =	vadd.s32 v4, v21  }
0x114: {  	v23 =	vadd.s32 s22, v12;
	v22 =	vadd.s32 v5, v22  }
0x115: {  	v24 =	vld.idx.msk [tilespmem:v18+s23+$0x0], $0xffff;
	v18 =	vadd.s32 v6, v23;
	v23 =	vadd.s32 s22, v10  }
0x116: {  	v25 =	vadd.s32 s22, v11;
	v26 =	vld.idx.msk [tilespmem:v19+s23+$0x0], $0xffff;
	v23 =	vadd.s32 v7, v23  }
0x117: {  	v27 =	vld.idx.msk [tilespmem:v20+s23+$0x0], $0xffff;
	v25 =	vadd.s32 v8, v25  }
0x118: {  	v28 =	vld.idx.msk [tilespmem:v21+s23+$0x0], $0xffff  }
0x119: {  	v21 =	vld.idx.msk [tilespmem:v22+s23+$0x0], $0xffff  }
0x11a: {  	v20 =	vld.idx.msk [tilespmem:v18+s23+$0x0], $0xffff  }
0x11b: {  	s7 =	simm.s32 $0x16E40;
	v19 =	vld.idx.msk [tilespmem:v23+s23+$0x0], $0xffff  }
0x11c: {  	v18 =	vld.idx.msk [tilespmem:v25+s23+$0x0], $0xffff;
	[tilespmem:s7+$0x30] =	vst v26  }
0x11d: {  	s8 =	simm.s32 $0x1;
	[tilespmem:s7+$0xFFFFFFC0] =	vst v24  }
0x11e: {  	v22 =	vadd.s32 s8, v15;
	[tilespmem:s7+$0xFFFFFFD0] =	vst v27  }
0x11f: {  	s9 =	simm.s32 $0x2;
	v22 =	vadd.s32 v1, v22;
	v23 =	vadd.s32 s8, v17;
	[tilespmem:s7+$0xFFFFFFE0] =	vst v28  }
.LBB2_11:
0x120: {  	p1 =	sne.s32 s9, $0x3F;
	v24 =	vadd.s32 s8, v16;
	v23 =	vadd.s32 v9, v23;
	[tilespmem:s7+$0xFFFFFFF0] =	vst v21  }
0x121: {  	v21 =	vadd.s32 v3, v24;
	v24 =	vadd.s32 s8, v14;
	[tilespmem:s7+$0x0] =	vst v20  }
0x122: {  	v20 =	vadd.s32 v4, v24;
	v24 =	vadd.s32 s8, v13;
	[tilespmem:s7+$0x10] =	vst v19  }
0x123: {  	v19 =	vadd.s32 v5, v24;
	v24 =	vadd.s32 s8, v12;
	[tilespmem:s7+$0x20] =	vst v18  }
0x124: {  	v22 =	vld.idx.msk [tilespmem:v22+s23+$0x0], $0xffff;
	v18 =	vadd.s32 v6, v24;
	v24 =	vadd.s32 s8, v10  }
0x125: {  	v25 =	vadd.s32 s8, v11;
	s8 =	smov.u32 s9;
	v24 =	vadd.s32 v7, v24;
	v23 =	vld.idx.msk [tilespmem:v23+s23+$0x0], $0xffff  }
0x126: {  	v25 =	vadd.s32 v8, v25;
	v26 =	vld.idx.msk [tilespmem:v21+s23+$0x0], $0xffff  }
0x127: {  	v27 =	vld.idx.msk [tilespmem:v20+s23+$0x0], $0xffff  }
0x128: {  	v21 =	vld.idx.msk [tilespmem:v19+s23+$0x0], $0xffff  }
0x129: {  	v20 =	vld.idx.msk [tilespmem:v18+s23+$0x0], $0xffff  }
.Ltmp4:
0x12a: {  	s7 =	sadd.s32 $0x80, s7;
	v19 =	vld.idx.msk [tilespmem:v24+s23+$0x0], $0xffff;
	(pc) =	sbr.rel @p1 .LBB2_11-.Ltmp4, $4  }
0x12b: {  	v18 =	vld.idx.msk [tilespmem:v25+s23+$0x0], $0xffff;
	[tilespmem:s7+$0x30] =	vst v23  }
0x12c: {  	[tilespmem:s7+$0xFFFFFFC0] =	vst v22  }
0x12d: {  	v22 =	vadd.s32 s9, v15;
	[tilespmem:s7+$0xFFFFFFD0] =	vst v26  }
0x12e: {  	v23 =	vadd.s32 s8, v17;
	s9 =	sadd.s32 $0x1, s9;
	v22 =	vadd.s32 v1, v22;
	[tilespmem:s7+$0xFFFFFFE0] =	vst v27  }
0x12f: {  	v15 =	vadd.s32 s8, v16;
	v63 =	vadd.s32 v9, v23;
	[tilespmem:s7+$0xFFFFFFF0] =	vst v21  }
0x130: {  	v14 =	vadd.s32 s8, v14;
	[tilespmem:s7+$0x0] =	vst v20;
	v15 =	vadd.s32 v3, v15  }
0x131: {  	v13 =	vadd.s32 s8, v13;
	[tilespmem:s7+$0x10] =	vst v19;
	v14 =	vadd.s32 v4, v14  }
0x132: {  	v12 =	vadd.s32 s8, v12;
	v13 =	vadd.s32 v5, v13;
	[tilespmem:s7+$0x20] =	vst v18  }
0x133: {  	v10 =	vadd.s32 s8, v10;
	v12 =	vadd.s32 v6, v12;
	v17 =	vld.idx.msk [tilespmem:v22+s23+$0x0], $0xffff  }
0x134: {  	v11 =	vadd.s32 s8, v11;
	v10 =	vadd.s32 v7, v10;
	v16 =	vld.idx.msk [tilespmem:v63+s23+$0x0], $0xffff  }
0x135: {  	v11 =	vadd.s32 v8, v11;
	v15 =	vld.idx.msk [tilespmem:v15+s23+$0x0], $0xffff  }
0x136: {  	v14 =	vld.idx.msk [tilespmem:v14+s23+$0x0], $0xffff  }
0x137: {  	v13 =	vld.idx.msk [tilespmem:v13+s23+$0x0], $0xffff  }
0x138: {  	v12 =	vld.idx.msk [tilespmem:v12+s23+$0x0], $0xffff  }
0x139: {  	s9 =	sadd.s32 $0x80, s7;
	v10 =	vld.idx.msk [tilespmem:v10+s23+$0x0], $0xffff  }
0x13a: {  	v11 =	vld.idx.msk [tilespmem:v11+s23+$0x0], $0xffff;
	[tilespmem:s9+$0xFFFFFFC0] =	vst v17  }
0x13b: {  	[tilespmem:s9+$0x30] =	vst v16  }
0x13c: {  	[tilespmem:s9+$0xFFFFFFD0] =	vst v15  }
0x13d: {  	[tilespmem:s9+$0xFFFFFFE0] =	vst v14  }
.Ltmp5:
0x13e: {  	s16 =	sshll.u32 s16, $0x12;
	[tilespmem:s9+$0xFFFFFFF0] =	vst v13;
	(pc) =	sbr.rel @p0 .LBB2_14-.Ltmp5, $4  }
0x13f: {  	s8 =	sor.u32 s4, s16;
	[tilespmem:s9+$0x0] =	vst v12  }
0x140: {  	s8 =	sshrl.u32 s8, $0x3;
	[tilespmem:s9+$0x10] =	vst v10  }
0x141: {  	s22 =	sadd.s32 s2, s8;
	[tilespmem:s9+$0x20] =	vst v11  }
0x142: {  	[hbm4b:s22+s11] =	stream.strided.scatter [tilespmem:s28], [sflag:$0x6], $0x2000, s12, s11, $0x38;
	[tilespmem:$0x18E00] =	vst v63  }
.Ltmp6:
0x143: {  	(pc) =	sbr.rel .LBB2_4-.Ltmp6, $3  }
0x144: {  	_ =	sdelay $0x1  }
0x145: {  	s7 =	sadd.s32 $0x1F80, s20;
	s18 =	sadd.s32 $0x1, s18  }
0x146: {  	[tilespmem:s23], [sflag:$0x4] =	stream.indirect.gather [hbm4b:s5+s15], $0x80, s7, s15, $0xb8;
	[tilespmem:$0x18E00] =	vst v63  }
.LBB2_14:
0x147: {  	_ =	swait.ge [sflag:s24], $0x4000  }
0x148: {  	[sflag:s24] =	ssyncset.done $0x0  }
0x149: {  	[sflag:s24] =	ssyncadd.s32 $0xFFFFC000  }
0x14a: {  	_ =	swait.ge [sflag:s30], $0x2000  }
0x14b: {  	[sflag:s30] =	ssyncset.done $0x0  }
0x14c: {  	[sflag:s30] =	ssyncadd.s32 $0xFFFFE000  }
0x14d: {  	v15 =	vld [tilespmem:$0x4D00]  }
0x14e: {  	v17 =	vld [tilespmem:$0x4D70]  }
0x14f: {  	v16 =	vld [tilespmem:$0x4D10]  }
0x150: {  	v14 =	vld [tilespmem:$0x4D20]  }
0x151: {  	s7 =	simm.s32 $0x0;
	v13 =	vld [tilespmem:$0x4D30]  }
0x152: {  	v12 =	vld [tilespmem:$0x4D40];
	v11 =	vadd.s32 s7, v15  }
0x153: {  	v10 =	vld [tilespmem:$0x4D50];
	v19 =	vadd.s32 s7, v17;
	v18 =	vadd.s32 v1, v11  }
0x154: {  	v20 =	vadd.s32 s7, v16;
	v11 =	vld [tilespmem:$0x4D60];
	v19 =	vadd.s32 v9, v19  }
0x155: {  	v21 =	vadd.s32 s7, v14;
	v20 =	vadd.s32 v3, v20  }
0x156: {  	v22 =	vadd.s32 s7, v13;
	v21 =	vadd.s32 v4, v21  }
0x157: {  	v23 =	vadd.s32 s7, v12;
	v22 =	vadd.s32 v5, v22  }
0x158: {  	v24 =	vld.idx.msk [tilespmem:v18+s17+$0x0], $0xffff;
	v18 =	vadd.s32 v6, v23;
	v23 =	vadd.s32 s7, v10  }
0x159: {  	v25 =	vadd.s32 s7, v11;
	v26 =	vld.idx.msk [tilespmem:v19+s17+$0x0], $0xffff;
	v23 =	vadd.s32 v7, v23  }
0x15a: {  	v27 =	vld.idx.msk [tilespmem:v20+s17+$0x0], $0xffff;
	v25 =	vadd.s32 v8, v25  }
0x15b: {  	v28 =	vld.idx.msk [tilespmem:v21+s17+$0x0], $0xffff  }
0x15c: {  	v21 =	vld.idx.msk [tilespmem:v22+s17+$0x0], $0xffff  }
0x15d: {  	v20 =	vld.idx.msk [tilespmem:v18+s17+$0x0], $0xffff  }
0x15e: {  	s7 =	simm.s32 $0x14E40;
	v19 =	vld.idx.msk [tilespmem:v23+s17+$0x0], $0xffff  }
0x15f: {  	v18 =	vld.idx.msk [tilespmem:v25+s17+$0x0], $0xffff;
	[tilespmem:s7+$0x30] =	vst v26  }
0x160: {  	s8 =	simm.s32 $0x1;
	[tilespmem:s7+$0xFFFFFFC0] =	vst v24  }
0x161: {  	v22 =	vadd.s32 s8, v15;
	[tilespmem:s7+$0xFFFFFFD0] =	vst v27  }
0x162: {  	s9 =	simm.s32 $0x2;
	v22 =	vadd.s32 v1, v22;
	v23 =	vadd.s32 s8, v17;
	[tilespmem:s7+$0xFFFFFFE0] =	vst v28  }
.LBB2_15:
0x163: {  	p0 =	sne.s32 s9, $0x3F;
	v24 =	vadd.s32 s8, v16;
	v23 =	vadd.s32 v9, v23;
	[tilespmem:s7+$0xFFFFFFF0] =	vst v21  }
0x164: {  	v21 =	vadd.s32 v3, v24;
	v24 =	vadd.s32 s8, v14;
	[tilespmem:s7+$0x0] =	vst v20  }
0x165: {  	v20 =	vadd.s32 v4, v24;
	v24 =	vadd.s32 s8, v13;
	[tilespmem:s7+$0x10] =	vst v19  }
0x166: {  	v19 =	vadd.s32 v5, v24;
	v24 =	vadd.s32 s8, v12;
	[tilespmem:s7+$0x20] =	vst v18  }
0x167: {  	v22 =	vld.idx.msk [tilespmem:v22+s17+$0x0], $0xffff;
	v18 =	vadd.s32 v6, v24;
	v24 =	vadd.s32 s8, v10  }
0x168: {  	v25 =	vadd.s32 s8, v11;
	s8 =	smov.u32 s9;
	v24 =	vadd.s32 v7, v24;
	v23 =	vld.idx.msk [tilespmem:v23+s17+$0x0], $0xffff  }
0x169: {  	v25 =	vadd.s32 v8, v25;
	v26 =	vld.idx.msk [tilespmem:v21+s17+$0x0], $0xffff  }
0x16a: {  	v27 =	vld.idx.msk [tilespmem:v20+s17+$0x0], $0xffff  }
0x16b: {  	v21 =	vld.idx.msk [tilespmem:v19+s17+$0x0], $0xffff  }
0x16c: {  	v20 =	vld.idx.msk [tilespmem:v18+s17+$0x0], $0xffff  }
.Ltmp7:
0x16d: {  	s7 =	sadd.s32 $0x80, s7;
	v19 =	vld.idx.msk [tilespmem:v24+s17+$0x0], $0xffff;
	(pc) =	sbr.rel @p0 .LBB2_15-.Ltmp7, $4  }
0x16e: {  	v18 =	vld.idx.msk [tilespmem:v25+s17+$0x0], $0xffff;
	[tilespmem:s7+$0x30] =	vst v23  }
0x16f: {  	[tilespmem:s7+$0xFFFFFFC0] =	vst v22  }
0x170: {  	v22 =	vadd.s32 s9, v15;
	[tilespmem:s7+$0xFFFFFFD0] =	vst v26  }
0x171: {  	v23 =	vadd.s32 s8, v17;
	s9 =	sadd.s32 $0x1, s9;
	v22 =	vadd.s32 v1, v22;
	[tilespmem:s7+$0xFFFFFFE0] =	vst v27  }
0x172: {  	v15 =	vadd.s32 s8, v16;
	v16 =	vadd.s32 v9, v23;
	[tilespmem:s7+$0xFFFFFFF0] =	vst v21  }
0x173: {  	v14 =	vadd.s32 s8, v14;
	[tilespmem:s7+$0x0] =	vst v20;
	v15 =	vadd.s32 v3, v15  }
0x174: {  	v13 =	vadd.s32 s8, v13;
	[tilespmem:s7+$0x10] =	vst v19;
	v14 =	vadd.s32 v4, v14  }
0x175: {  	v12 =	vadd.s32 s8, v12;
	v13 =	vadd.s32 v5, v13;
	[tilespmem:s7+$0x20] =	vst v18  }
0x176: {  	v10 =	vadd.s32 s8, v10;
	v12 =	vadd.s32 v6, v12;
	v17 =	vld.idx.msk [tilespmem:v22+s17+$0x0], $0xffff  }
0x177: {  	v11 =	vadd.s32 s8, v11;
	v10 =	vadd.s32 v7, v10;
	v16 =	vld.idx.msk [tilespmem:v16+s17+$0x0], $0xffff  }
0x178: {  	v11 =	vadd.s32 v8, v11;
	v15 =	vld.idx.msk [tilespmem:v15+s17+$0x0], $0xffff  }
0x179: {  	v14 =	vld.idx.msk [tilespmem:v14+s17+$0x0], $0xffff  }
0x17a: {  	v13 =	vld.idx.msk [tilespmem:v13+s17+$0x0], $0xffff  }
0x17b: {  	v12 =	vld.idx.msk [tilespmem:v12+s17+$0x0], $0xffff  }
0x17c: {  	s18 =	sadd.s32 $0x80, s7;
	v10 =	vld.idx.msk [tilespmem:v10+s17+$0x0], $0xffff  }
0x17d: {  	v11 =	vld.idx.msk [tilespmem:v11+s17+$0x0], $0xffff;
	[tilespmem:s18+$0xFFFFFFC0] =	vst v17  }
0x17e: {  	[tilespmem:s18+$0x30] =	vst v16  }
0x17f: {  	[tilespmem:s18+$0xFFFFFFD0] =	vst v15  }
0x180: {  	[tilespmem:s18+$0xFFFFFFE0] =	vst v14  }
0x181: {  	[tilespmem:s18+$0xFFFFFFF0] =	vst v13  }
0x182: {  	[tilespmem:s18+$0x0] =	vst v12  }
0x183: {  	[tilespmem:s18+$0x10] =	vst v10  }
0x184: {  	s20 =	rddreg [dreg:$0x5];
	[tilespmem:s18+$0x20] =	vst v11  }
0x185: {  	[hbm4b:s20+s11] =	stream.strided.scatter [tilespmem:s25], [sflag:$0x5], $0x2000, s12, s11, $0x38;
	[tilespmem:$0x18E00] =	vst v63  }
0x186: {  	_ =	swait.ge [sflag:s26], $0x4000  }
0x187: {  	[sflag:s26] =	ssyncset.done $0x0  }
0x188: {  	[sflag:s26] =	ssyncadd.s32 $0xFFFFC000  }
0x189: {  	_ =	swait.ge [sflag:s0], $0x2000  }
0x18a: {  	[sflag:s0] =	ssyncset.done $0x0  }
0x18b: {  	[sflag:s0] =	ssyncadd.s32 $0xFFFFE000  }
0x18c: {  	v15 =	vld [tilespmem:$0x4D80]  }
0x18d: {  	v17 =	vld [tilespmem:$0x4DF0]  }
0x18e: {  	v16 =	vld [tilespmem:$0x4D90]  }
0x18f: {  	v14 =	vld [tilespmem:$0x4DA0]  }
0x190: {  	s22 =	simm.s32 $0x0;
	v13 =	vld [tilespmem:$0x4DB0]  }
0x191: {  	v12 =	vld [tilespmem:$0x4DC0];
	v11 =	vadd.s32 s22, v15  }
0x192: {  	v10 =	vld [tilespmem:$0x4DD0];
	v19 =	vadd.s32 s22, v17;
	v18 =	vadd.s32 v1, v11  }
0x193: {  	v20 =	vadd.s32 s22, v16;
	v11 =	vld [tilespmem:$0x4DE0];
	v19 =	vadd.s32 v9, v19  }
0x194: {  	v21 =	vadd.s32 s22, v14;
	v20 =	vadd.s32 v3, v20  }
0x195: {  	v22 =	vadd.s32 s22, v13;
	v21 =	vadd.s32 v4, v21  }
0x196: {  	v23 =	vadd.s32 s22, v12;
	v22 =	vadd.s32 v5, v22  }
0x197: {  	v24 =	vld.idx.msk [tilespmem:v18+s19+$0x0], $0xffff;
	v18 =	vadd.s32 v6, v23;
	v23 =	vadd.s32 s22, v10  }
0x198: {  	v25 =	vadd.s32 s22, v11;
	v26 =	vld.idx.msk [tilespmem:v19+s19+$0x0], $0xffff;
	v23 =	vadd.s32 v7, v23  }
0x199: {  	v27 =	vld.idx.msk [tilespmem:v20+s19+$0x0], $0xffff;
	v25 =	vadd.s32 v8, v25  }
0x19a: {  	v28 =	vld.idx.msk [tilespmem:v21+s19+$0x0], $0xffff  }
0x19b: {  	v21 =	vld.idx.msk [tilespmem:v22+s19+$0x0], $0xffff  }
0x19c: {  	v20 =	vld.idx.msk [tilespmem:v18+s19+$0x0], $0xffff  }
0x19d: {  	s7 =	simm.s32 $0x16E40;
	v19 =	vld.idx.msk [tilespmem:v23+s19+$0x0], $0xffff  }
0x19e: {  	v18 =	vld.idx.msk [tilespmem:v25+s19+$0x0], $0xffff;
	[tilespmem:s7+$0x30] =	vst v26  }
0x19f: {  	s8 =	simm.s32 $0x1;
	[tilespmem:s7+$0xFFFFFFC0] =	vst v24  }
0x1a0: {  	v22 =	vadd.s32 s8, v15;
	[tilespmem:s7+$0xFFFFFFD0] =	vst v27  }
0x1a1: {  	s9 =	simm.s32 $0x2;
	s20 =	simm.s32 $0x1C00;
	v22 =	vadd.s32 v1, v22;
	v23 =	vadd.s32 s8, v17;
	[tilespmem:s7+$0xFFFFFFE0] =	vst v28  }
.LBB2_17:
0x1a2: {  	p0 =	sne.s32 s9, $0x3F;
	v24 =	vadd.s32 s8, v16;
	v23 =	vadd.s32 v9, v23;
	[tilespmem:s7+$0xFFFFFFF0] =	vst v21  }
0x1a3: {  	v21 =	vadd.s32 v3, v24;
	v24 =	vadd.s32 s8, v14;
	[tilespmem:s7+$0x0] =	vst v20  }
0x1a4: {  	v20 =	vadd.s32 v4, v24;
	v24 =	vadd.s32 s8, v13;
	[tilespmem:s7+$0x10] =	vst v19  }
0x1a5: {  	v19 =	vadd.s32 v5, v24;
	v24 =	vadd.s32 s8, v12;
	[tilespmem:s7+$0x20] =	vst v18  }
0x1a6: {  	v22 =	vld.idx.msk [tilespmem:v22+s19+$0x0], $0xffff;
	v18 =	vadd.s32 v6, v24;
	v24 =	vadd.s32 s8, v10  }
0x1a7: {  	v25 =	vadd.s32 s8, v11;
	s8 =	smov.u32 s9;
	v24 =	vadd.s32 v7, v24;
	v23 =	vld.idx.msk [tilespmem:v23+s19+$0x0], $0xffff  }
0x1a8: {  	v25 =	vadd.s32 v8, v25;
	v26 =	vld.idx.msk [tilespmem:v21+s19+$0x0], $0xffff  }
0x1a9: {  	v27 =	vld.idx.msk [tilespmem:v20+s19+$0x0], $0xffff  }
0x1aa: {  	v21 =	vld.idx.msk [tilespmem:v19+s19+$0x0], $0xffff  }
0x1ab: {  	v20 =	vld.idx.msk [tilespmem:v18+s19+$0x0], $0xffff  }
.Ltmp8:
0x1ac: {  	s7 =	sadd.s32 $0x80, s7;
	v19 =	vld.idx.msk [tilespmem:v24+s19+$0x0], $0xffff;
	(pc) =	sbr.rel @p0 .LBB2_17-.Ltmp8, $4  }
0x1ad: {  	v18 =	vld.idx.msk [tilespmem:v25+s19+$0x0], $0xffff;
	[tilespmem:s7+$0x30] =	vst v23  }
0x1ae: {  	[tilespmem:s7+$0xFFFFFFC0] =	vst v22  }
0x1af: {  	v22 =	vadd.s32 s9, v15;
	[tilespmem:s7+$0xFFFFFFD0] =	vst v26  }
0x1b0: {  	v23 =	vadd.s32 s8, v17;
	s9 =	sadd.s32 $0x1, s9;
	v22 =	vadd.s32 v1, v22;
	[tilespmem:s7+$0xFFFFFFE0] =	vst v27  }
0x1b1: {  	v15 =	vadd.s32 s8, v16;
	v63 =	vadd.s32 v9, v23;
	[tilespmem:s7+$0xFFFFFFF0] =	vst v21  }
0x1b2: {  	v14 =	vadd.s32 s8, v14;
	[tilespmem:s7+$0x0] =	vst v20;
	v15 =	vadd.s32 v3, v15  }
0x1b3: {  	v13 =	vadd.s32 s8, v13;
	[tilespmem:s7+$0x10] =	vst v19;
	v14 =	vadd.s32 v4, v14  }
0x1b4: {  	v12 =	vadd.s32 s8, v12;
	v13 =	vadd.s32 v5, v13;
	[tilespmem:s7+$0x20] =	vst v18  }
0x1b5: {  	v10 =	vadd.s32 s8, v10;
	v12 =	vadd.s32 v6, v12;
	v17 =	vld.idx.msk [tilespmem:v22+s19+$0x0], $0xffff  }
0x1b6: {  	v11 =	vadd.s32 s8, v11;
	v10 =	vadd.s32 v7, v10;
	v16 =	vld.idx.msk [tilespmem:v63+s19+$0x0], $0xffff  }
0x1b7: {  	v11 =	vadd.s32 v8, v11;
	v15 =	vld.idx.msk [tilespmem:v15+s19+$0x0], $0xffff  }
0x1b8: {  	v14 =	vld.idx.msk [tilespmem:v14+s19+$0x0], $0xffff  }
0x1b9: {  	v13 =	vld.idx.msk [tilespmem:v13+s19+$0x0], $0xffff  }
0x1ba: {  	v12 =	vld.idx.msk [tilespmem:v12+s19+$0x0], $0xffff  }
0x1bb: {  	s18 =	sadd.s32 $0x80, s7;
	v10 =	vld.idx.msk [tilespmem:v10+s19+$0x0], $0xffff  }
0x1bc: {  	v11 =	vld.idx.msk [tilespmem:v11+s19+$0x0], $0xffff;
	[tilespmem:s18+$0xFFFFFFC0] =	vst v17  }
0x1bd: {  	[tilespmem:s18+$0x30] =	vst v16  }
0x1be: {  	[tilespmem:s18+$0xFFFFFFD0] =	vst v15  }
0x1bf: {  	[tilespmem:s18+$0xFFFFFFE0] =	vst v14  }
0x1c0: {  	[tilespmem:s18+$0xFFFFFFF0] =	vst v13  }
0x1c1: {  	[tilespmem:s18+$0x0] =	vst v12  }
0x1c2: {  	[tilespmem:s18+$0x10] =	vst v10  }
0x1c3: {  	s22 =	rddreg [dreg:$0x6];
	s1 =	sadd.s32 $0x1, s1;
	[tilespmem:s18+$0x20] =	vst v11  }
0x1c4: {  	[hbm4b:s22+s11] =	stream.strided.scatter [tilespmem:s28], [sflag:$0x6], $0x2000, s12, s11, $0x38;
	[tilespmem:$0x18E00] =	vst v63  }
0x1c5: {  	p0 =	sne.s32 s1, s10;
	_ =	swait.ge [sflag:s30], $0x2000  }
.Ltmp9:
0x1c6: {  	[sflag:s30] =	ssyncset.done $0x0;
	(pc) =	sbr.rel @p0 .LBB2_1-.Ltmp9, $4  }
0x1c7: {  	[sflag:s30] =	ssyncadd.s32 $0xFFFFE000  }
0x1c8: {  	_ =	swait.ge [sflag:s0], $0x2000  }
0x1c9: {  	[sflag:s0] =	ssyncset.done $0x0  }
0x1ca: {  	[sflag:s0] =	ssyncadd.s32 $0xFFFFE000  }
0x1cb: {  	_ =	sfence.sel $0x180000  }
0x1cc: {  	[bflag:$0x0] =	sbarrier.arrive $0xFFFF  }
0x1cd: {  	_ =	strace $0x90000047  }
0x1ce: {  	s0 =	stileid.u32;
	[bflag:$0x2] =	sbarrier.arrive $0xFFFF  }
0x1cf: {  	p0 =	sne.s32 s0, $0x0;
	s0 =	rddreg [dreg:$0x3]  }
0x1d0: {  	s0 =	sadd.s32 @!p0 $0x100000, s0  }
0x1d1: {  	[sflag:s0] =	ssyncadd.tile.s32 @!p0 $0x1;
	_ =	shalt  }
.Lfunc_end2:
_tile_overlayer_lowered:
.L_overlay_start_2:
0x1d2: {  	(tag) =	ssettag $0x2  }
0x1d3: {  	s0 =	rddreg [dreg:$0x0];
	s2 =	stileid.u32  }
0x1d4: {  	s1 =	rddreg [dreg:$0x1];
	p0 =	sne.s32 s2, $0x0  }
0x1d5: {  	s3 =	rddreg [dreg:$0x2];
	[bflag:$0x3] =	sbarrier.arrive $0xFFFF;
	s2 =	simm.s32 @!p0 $0x1C07  }
0x1d6: {  	[timem:s3], [sflag:s2] =	dma.local @!p0 [hbm:s0], s1  }
0x1d7: {  	s0 =	simm.s32 @!p0 $0x7  }
0x1d8: {  	_ =	swait.ge @!p0 [sflag:s0], s1  }
0x1d9: {  	s1 =	ssub.s32 @!p0 $0x0, s1;
	[sflag:s0] =	ssyncset.done @!p0 $0x0  }
0x1da: {  	[sflag:s0] =	ssyncadd.s32 @!p0 s1  }
0x1db: {  	[bflag:$0x3] =	sbarrier.arrive $0xFFFF  }
0x1dc: {  	_ =	shalt  }

</sc_bundles>
